<compile_context>
chip_gen: v7x
topology: tpu7x:2x2x1
jax: 0.10.2.dev20260603
libtpu: 0.0.44.dev20260713+nightly
codegen_flags: <defaults>
</compile_context>

<pallas_src>
import functools
import math

import jax
import jax.numpy as jnp
from jax import lax
from jax.experimental import pallas as pl
from jax.experimental.pallas import tpu as pltpu
from jax.experimental.pallas import tpu_sc as plsc

B = 4096
LAT = 64
OBS = 72
HID = 1024
J = 29
NCMD = 16
K = 8
TOPK = 2
GH = 256
POS = 75
EH = 512
LOG_STD_MIN = math.log(1e-4)
LOG_STD_MAX = math.log(5.0)

TD = 256
S = TOPK * B + K * TD
NT = S // TD
YP = 128
XP = 128

NSC = 2
NTILE = 16
NW = NSC * NTILE
TPW = B // NW
SPW = S // NW
SPT = S // NTILE

_F32 = jnp.float32


def _elu(x):
    return jnp.where(x > 0, x, jnp.exp(jnp.minimum(x, 0.0)) - 1.0)


def _softmax(x):
    m = jnp.max(x, axis=-1, keepdims=True)
    e = jnp.exp(x - m)
    return e / jnp.sum(e, axis=-1, keepdims=True)


def _ln(x, g, b):
    m = x.mean(-1, keepdims=True)
    v = ((x - m) ** 2).mean(-1, keepdims=True)
    return (x - m) * jax.lax.rsqrt(v + 1e-5) * g + b


def _gate_body(obs_ref, z_ref, chW1, chb1, chW2, chb2, gW1, gb1, gW2, gb2,
               gW3, gb3, lows, highs,
               xrow_out, wn_out, msk_out, rank_out, cnt_out, cnt_acc):
    i = pl.program_id(0)

    @pl.when(i == 0)
    def _():
        cnt_acc[...] = jnp.zeros_like(cnt_acc)

    obs = obs_ref[...]
    z = z_ref[...]
    oz = jnp.concatenate([obs, z], axis=-1)
    h = _elu(jnp.dot(oz, chW1[...], preferred_element_type=_F32) + chb1[...])
    cmd01 = jax.nn.sigmoid(jnp.dot(h, chW2[...], preferred_element_type=_F32) + chb2[...])
    lo = lows[...]
    cmd = lo + (highs[...] - lo) * cmd01
    g_in = jnp.concatenate([cmd, obs[:, NCMD:], z], axis=-1)
    g = _elu(jnp.dot(g_in, gW1[...], preferred_element_type=_F32) + gb1[...])
    g = _elu(jnp.dot(g, gW2[...], preferred_element_type=_F32) + gb2[...])
    logits = jnp.dot(g, gW3[...], preferred_element_type=_F32) + gb3[...]
    w = _softmax(logits)
    kidx = lax.broadcasted_iota(jnp.int32, w.shape, 1)
    m1 = jnp.max(w, axis=-1, keepdims=True)
    i1 = jnp.min(jnp.where(w == m1, kidx, K), axis=-1, keepdims=True)
    w2 = jnp.where(kidx == i1, -1.0, w)
    m2 = jnp.max(w2, axis=-1, keepdims=True)
    i2 = jnp.min(jnp.where(w2 == m2, kidx, K), axis=-1, keepdims=True)
    msk = (kidx == i1) | (kidx == i2)
    mskf = msk.astype(_F32)
    wm = jnp.where(msk, w, 0.0)
    wn = wm / jnp.sum(wm, axis=-1, keepdims=True)
    t = mskf.shape[0]
    r_i = lax.broadcasted_iota(jnp.int32, (t, t), 0)
    c_i = lax.broadcasted_iota(jnp.int32, (t, t), 1)
    tri = (r_i > c_i).astype(_F32)
    r_local = jnp.dot(tri, mskf, preferred_element_type=_F32)
    rank_out[...] = cnt_acc[...] + r_local
    cnt_acc[...] += jnp.sum(mskf, axis=0, keepdims=True)
    cnt_out[...] = cnt_acc[...]
    xrow_out[...] = jnp.concatenate(
        [g_in[:, :OBS], jnp.zeros((t, XP - OBS), _F32)], axis=-1)
    wn_out[...] = wn
    msk_out[...] = mskf


def _expert_body(eids_ref, xd_ref, W1f, b1f, W2, b2, W3, b3, y_ref):
    x = xd_ref[...]
    h = _elu(jnp.dot(x, W1f[0], preferred_element_type=_F32) + b1f[0])
    h = _elu(jnp.dot(h.astype(jnp.bfloat16), W2[0],
                     preferred_element_type=_F32) + b2[0])
    mu = jnp.dot(h, W3[0], preferred_element_type=_F32) + b3[0]
    wmu = x[:, XP - 1:XP] * mu
    y_ref[...] = jnp.concatenate(
        [wmu, jnp.zeros((wmu.shape[0], YP - J), _F32)], axis=-1)


_CH = 64


def _sc_push_dispatch_body(slot1_hbm, slot2_hbm, w1_hbm, w2_hbm, xrow_hbm,
                           xd_hbm,
                           s1v, s2v, w1v, w2v, xbuf, sem):
    cid = lax.axis_index("c")
    sid = lax.axis_index("s")
    wid = cid * NTILE + sid
    tbase = wid * TPW
    pltpu.sync_copy(xrow_hbm.at[pl.ds(tbase, TPW), :], xbuf)
    pltpu.sync_copy(slot1_hbm.at[pl.ds(tbase, TPW)], s1v)
    pltpu.sync_copy(slot2_hbm.at[pl.ds(tbase, TPW)], s2v)
    pltpu.sync_copy(w1_hbm.at[pl.ds(tbase, TPW)], w1v)
    pltpu.sync_copy(w2_hbm.at[pl.ds(tbase, TPW)], w2v)
    lastcol = jnp.full((16,), XP - 1, jnp.int32)
    for j in range(TPW // 16):
        rows = lax.iota(jnp.int32, 16) + j * 16
        plsc.store_scatter(xbuf, [rows, lastcol], w1v[pl.ds(j * 16, 16)])
    pltpu.async_copy(xbuf, xd_hbm.at[s1v], sem).wait()
    for j in range(TPW // 16):
        rows = lax.iota(jnp.int32, 16) + j * 16
        plsc.store_scatter(xbuf, [rows, lastcol], w2v[pl.ds(j * 16, 16)])
    pltpu.async_copy(xbuf, xd_hbm.at[s2v], sem).wait()


def _sc_combine_body(y_hbm, slot1_hbm, slot2_hbm, a_hbm, b_hbm,
                     s1v, s2v, rowsA, rowsB, sem):
    cid = lax.axis_index("c")
    sid = lax.axis_index("s")
    wid = cid * NTILE + sid
    base = wid * TPW
    pltpu.sync_copy(slot1_hbm.at[pl.ds(base, TPW)], s1v)
    pltpu.sync_copy(slot2_hbm.at[pl.ds(base, TPW)], s2v)
    for g in range(TPW // _CH):
        pltpu.async_copy(
            y_hbm.at[s1v.at[pl.ds(g * _CH, _CH)]],
            rowsA.at[pl.ds(g * _CH, _CH), :], sem).wait()
        pltpu.async_copy(
            y_hbm.at[s2v.at[pl.ds(g * _CH, _CH)]],
            rowsB.at[pl.ds(g * _CH, _CH), :], sem).wait()
    pltpu.sync_copy(rowsA, a_hbm.at[pl.ds(base, TPW), :])
    pltpu.sync_copy(rowsB, b_hbm.at[pl.ds(base, TPW), :])


def _fn_body(obs_ref, z_ref, mask_ref, ya_ref, yb_ref,
             fnW1, fnb1, g1, be1, fnW2, fnb2, g2,
             be2, lsW1, lsb1, lsW2, lsb2, vhW, vhb,
             mu_out, feats_out, ls_out, sig_out):
    mu_out[...] = (ya_ref[...] + yb_ref[...])[:, :J]
    oz = jnp.concatenate([obs_ref[...], z_ref[...]], axis=-1)
    x = jnp.dot(oz, fnW1[...], preferred_element_type=_F32) + fnb1[...]
    x = jax.nn.relu(_ln(x, g1[...], be1[...]))
    x = jnp.dot(x.astype(jnp.bfloat16), fnW2[...],
                preferred_element_type=_F32) + fnb2[...]
    x = jax.nn.relu(_ln(x, g2[...], be2[...]))
    feats = x * mask_ref[...]
    h = jax.nn.relu(jnp.dot(feats.astype(jnp.bfloat16), lsW1[...],
                            preferred_element_type=_F32) + lsb1[...])
    ls = jnp.dot(h, lsW2[...], preferred_element_type=_F32) + lsb2[...]
    log_std = jnp.clip(ls, LOG_STD_MIN, LOG_STD_MAX)
    sr = jnp.dot(feats, vhW[...], preferred_element_type=_F32) + vhb[...]
    sigma = 0.05 + (0.5 - 0.05) * jax.nn.sigmoid(sr)
    feats_out[...] = feats
    ls_out[...] = log_std
    sig_out[...] = jnp.log(sigma)


def _row_spec(t, n):
    return pl.BlockSpec((t, n), lambda i: (0, 0) if t is None else (i, 0))


def _full_spec(shape):
    nd = len(shape)
    return pl.BlockSpec(shape, lambda i, _nd=nd: (0,) * _nd)


def kernel(z, obs_t, mask_t, params, consts):
    p, c = params, consts
    r2 = lambda a: a.reshape(1, -1)

    TG = 512
    xrow, wn, mskf, rank, cnt = pl.pallas_call(
        _gate_body,
        grid=(B // TG,),
        in_specs=[
            pl.BlockSpec((TG, OBS), lambda i: (i, 0)),
            pl.BlockSpec((TG, LAT), lambda i: (i, 0)),
            _full_spec((OBS + LAT, GH)), _full_spec((1, GH)),
            _full_spec((GH, NCMD)), _full_spec((1, NCMD)),
            _full_spec((OBS + LAT, GH)), _full_spec((1, GH)),
            _full_spec((GH, GH)), _full_spec((1, GH)),
            _full_spec((GH, K)), _full_spec((1, K)),
            _full_spec((1, NCMD)), _full_spec((1, NCMD)),
        ],
        out_specs=[
            pl.BlockSpec((TG, XP), lambda i: (i, 0)),
            pl.BlockSpec((TG, K), lambda i: (i, 0)),
            pl.BlockSpec((TG, K), lambda i: (i, 0)),
            pl.BlockSpec((TG, K), lambda i: (i, 0)),
            pl.BlockSpec((1, K), lambda i: (0, 0)),
        ],
        out_shape=[
            jax.ShapeDtypeStruct((B, XP), _F32),
            jax.ShapeDtypeStruct((B, K), _F32),
            jax.ShapeDtypeStruct((B, K), _F32),
            jax.ShapeDtypeStruct((B, K), _F32),
            jax.ShapeDtypeStruct((1, K), _F32),
        ],
        scratch_shapes=[pltpu.VMEM((1, K), _F32)],
        compiler_params=pltpu.CompilerParams(
            dimension_semantics=("arbitrary",)),
    )(obs_t, z, p['ch_W1'], r2(p['ch_b1']), p['ch_W2'], r2(p['ch_b2']),
      p['g_W1'], r2(p['g_b1']), p['g_W2'], r2(p['g_b2']),
      p['g_W3'], r2(p['g_b3']), r2(c['cmd_lows']), r2(c['cmd_highs']))

    n_k = cnt[0].astype(jnp.int32)
    pad_k = ((n_k + TD - 1) // TD) * TD
    cum_pad = jnp.cumsum(pad_k)
    start = cum_pad - pad_k
    slot_all = start[None, :] + rank.astype(jnp.int32)
    mskb = mskf > 0.5
    slot_m = jnp.where(mskb, slot_all, S)
    slot1 = jnp.min(slot_m, axis=-1)
    slot2 = jnp.max(jnp.where(mskb, slot_all, -1), axis=-1)
    w1 = jnp.sum(jnp.where(slot_m == slot1[:, None], wn, 0.0), axis=-1)
    w2 = jnp.sum(jnp.where(slot_m == slot2[:, None], wn, 0.0), axis=-1)
    tile_base = jnp.arange(NT, dtype=jnp.int32) * TD
    eids = jnp.minimum(
        jnp.sum((tile_base[:, None] >= cum_pad[None, :]).astype(jnp.int32),
                axis=-1), K - 1)

    mesh = plsc.VectorSubcoreMesh(core_axis_name="c", subcore_axis_name="s")
    x_d = pl.kernel(
        _sc_push_dispatch_body, mesh=mesh,
        out_type=jax.ShapeDtypeStruct((S, XP), _F32),
        scratch_types=[
            pltpu.VMEM((TPW,), jnp.int32), pltpu.VMEM((TPW,), jnp.int32),
            pltpu.VMEM((TPW,), _F32), pltpu.VMEM((TPW,), _F32),
            pltpu.VMEM((TPW, XP), _F32),
            pltpu.SemaphoreType.DMA,
        ],
        compiler_params=pltpu.CompilerParams(needs_layout_passes=False),
    )(slot1, slot2, w1, w2, xrow)

    W1f = (c['ex_W1'] * jnp.concatenate(
        [c['cmd_masks'][:, :, None],
         jnp.ones((K, OBS - NCMD, 1), _F32)], axis=1))
    W1f = jnp.concatenate([W1f, jnp.zeros((K, XP - OBS, EH), _F32)], axis=1)
    y = pl.pallas_call(
        _expert_body,
        grid_spec=pltpu.PrefetchScalarGridSpec(
            num_scalar_prefetch=1,
            grid=(NT,),
            in_specs=[
                pl.BlockSpec((TD, XP), lambda i, e: (i, 0)),
                pl.BlockSpec((1, XP, EH), lambda i, e: (e[i], 0, 0)),
                pl.BlockSpec((1, 1, EH), lambda i, e: (e[i], 0, 0)),
                pl.BlockSpec((1, EH, EH), lambda i, e: (e[i], 0, 0)),
                pl.BlockSpec((1, 1, EH), lambda i, e: (e[i], 0, 0)),
                pl.BlockSpec((1, EH, J), lambda i, e: (e[i], 0, 0)),
                pl.BlockSpec((1, 1, J), lambda i, e: (e[i], 0, 0)),
            ],
            out_specs=[pl.BlockSpec((TD, YP), lambda i, e: (i, 0))],
        ),
        out_shape=[jax.ShapeDtypeStruct((S, YP), _F32)],
        compiler_params=pltpu.CompilerParams(
            dimension_semantics=("arbitrary",)),
    )(eids, x_d, W1f, c['ex_b1'][:, None, :],
      c['ex_W2'].astype(jnp.bfloat16), c['ex_b2'][:, None, :],
      c['ex_W3'], c['ex_b3'][:, None, :])[0]

    ya, yb = pl.kernel(
        _sc_combine_body, mesh=mesh,
        out_type=[jax.ShapeDtypeStruct((B, YP), _F32),
                  jax.ShapeDtypeStruct((B, YP), _F32)],
        scratch_types=[
            pltpu.VMEM((TPW,), jnp.int32), pltpu.VMEM((TPW,), jnp.int32),
            pltpu.VMEM((TPW, YP), _F32), pltpu.VMEM((TPW, YP), _F32),
            pltpu.SemaphoreType.DMA,
        ],
        compiler_params=pltpu.CompilerParams(needs_layout_passes=False),
    )(y, slot1, slot2)

    TF = 512
    mu_mix, feats, log_std, log_sig = pl.pallas_call(
        _fn_body,
        grid=(B // TF,),
        in_specs=[
            pl.BlockSpec((TF, OBS), lambda i: (i, 0)),
            pl.BlockSpec((TF, LAT), lambda i: (i, 0)),
            pl.BlockSpec((TF, 1), lambda i: (i, 0)),
            pl.BlockSpec((TF, YP), lambda i: (i, 0)),
            pl.BlockSpec((TF, YP), lambda i: (i, 0)),
            _full_spec((OBS + LAT, HID)), _full_spec((1, HID)),
            _full_spec((1, HID)), _full_spec((1, HID)),
            _full_spec((HID, HID)), _full_spec((1, HID)),
            _full_spec((1, HID)), _full_spec((1, HID)),
            _full_spec((HID, HID)), _full_spec((1, HID)),
            _full_spec((HID, J)), _full_spec((1, J)),
            _full_spec((HID, POS)), _full_spec((1, POS)),
        ],
        out_specs=[
            pl.BlockSpec((TF, J), lambda i: (i, 0)),
            pl.BlockSpec((TF, HID), lambda i: (i, 0)),
            pl.BlockSpec((TF, J), lambda i: (i, 0)),
            pl.BlockSpec((TF, POS), lambda i: (i, 0)),
        ],
        out_shape=[
            jax.ShapeDtypeStruct((B, J), _F32),
            jax.ShapeDtypeStruct((B, HID), _F32),
            jax.ShapeDtypeStruct((B, J), _F32),
            jax.ShapeDtypeStruct((B, POS), _F32),
        ],
        compiler_params=pltpu.CompilerParams(
            dimension_semantics=("arbitrary",)),
    )(obs_t, z, mask_t, ya, yb,
      p['fn_W1'], r2(p['fn_b1']), r2(p['fn_g1']), r2(p['fn_be1']),
      p['fn_W2'].astype(jnp.bfloat16), r2(p['fn_b2']), r2(p['fn_g2']), r2(p['fn_be2']),
      p['ls_W1'].astype(jnp.bfloat16), r2(p['ls_b1']), p['ls_W2'], r2(p['ls_b2']),
      p['vh_W'], r2(p['vh_b']))

    return (mu_mix, mu_mix, log_std, log_sig, feats)

# --- scband reference (transcript-rebuilt; emitter-appended) ---
"""Pipeline reference for scband-decoder-mo-e-22746146800131 (READ-ONLY COPY).

The authoritative reference and input builder live on the scoring server;
editing this copy changes nothing except your own understanding.
"""

import jax, jax.numpy as jnp
import numpy as np
import math

B = 4096
LAT = 64
OBS = 72
HID = 1024
J = 29
NCMD = 16
K = 8
TOPK = 2
GH = 256
POS = 75
EH = 512
LOG_STD_MIN = math.log(1e-4)
LOG_STD_MAX = math.log(5.0)


def _ln(x, g, b):
    m = x.mean(-1, keepdims=True)
    v = ((x - m) ** 2).mean(-1, keepdims=True)
    return (x - m) / jnp.sqrt(v + 1e-5) * g + b


def setup_inputs(seed: int = 0):
    key = jax.random.key(seed)
    ks = jax.random.split(key, 24)
    def gn(i, shape, s=0.05):
        return jax.random.normal(ks[i], shape, dtype=jnp.float32) * s
    z = jax.random.normal(ks[0], (B, LAT), dtype=jnp.float32)
    obs_t = jax.random.normal(ks[1], (B, OBS), dtype=jnp.float32)
    mask_t = jnp.ones((B, 1), dtype=jnp.float32)
    params = {
        'fn_W1': gn(2, (OBS + LAT, HID)), 'fn_b1': jnp.zeros((HID,), jnp.float32),
        'fn_g1': jnp.ones((HID,), jnp.float32), 'fn_be1': jnp.zeros((HID,), jnp.float32),
        'fn_W2': gn(3, (HID, HID)), 'fn_b2': jnp.zeros((HID,), jnp.float32),
        'fn_g2': jnp.ones((HID,), jnp.float32), 'fn_be2': jnp.zeros((HID,), jnp.float32),
        'ch_W1': gn(4, (OBS + LAT, GH)), 'ch_b1': jnp.zeros((GH,), jnp.float32),
        'ch_W2': gn(5, (GH, NCMD)), 'ch_b2': jnp.zeros((NCMD,), jnp.float32),
        'g_W1': gn(6, (OBS + LAT, GH)), 'g_b1': jnp.zeros((GH,), jnp.float32),
        'g_W2': gn(7, (GH, GH)), 'g_b2': jnp.zeros((GH,), jnp.float32),
        'g_W3': gn(8, (GH, K)), 'g_b3': jnp.zeros((K,), jnp.float32),
        'ls_W1': gn(9, (HID, HID)), 'ls_b1': jnp.zeros((HID,), jnp.float32),
        'ls_W2': gn(10, (HID, J)), 'ls_b2': jnp.zeros((J,), jnp.float32),
        'vh_W': jnp.zeros((HID, POS), jnp.float32), 'vh_b': jnp.full((POS,), -2.0, jnp.float32),
    }
    consts = {
        'ex_W1': gn(11, (K, OBS, EH)), 'ex_b1': jnp.zeros((K, EH), jnp.float32),
        'ex_W2': gn(12, (K, EH, EH)), 'ex_b2': jnp.zeros((K, EH), jnp.float32),
        'ex_W3': gn(13, (K, EH, J)), 'ex_b3': jnp.zeros((K, J), jnp.float32),
        'cmd_lows': -jnp.ones((NCMD,), jnp.float32),
        'cmd_highs': jnp.ones((NCMD,), jnp.float32),
        'cmd_masks': (jax.random.uniform(ks[14], (K, NCMD)) > 0.5).astype(jnp.float32),
    }
    return {'z': z, 'obs_t': obs_t, 'mask_t': mask_t, 'params': params, 'consts': consts}


def _forward(z, obs_t, mask_t, p, c):
    oz = jnp.concatenate([obs_t, z], axis=-1)
    # cmd head
    h = jax.nn.elu(oz @ p['ch_W1'] + p['ch_b1'])
    cmd01 = jax.nn.sigmoid(h @ p['ch_W2'] + p['ch_b2'])
    cmd_full = c['cmd_lows'] + (c['cmd_highs'] - c['cmd_lows']) * cmd01
    cmd_norm = cmd_full  # obs_norm is None -> identity
    # gate with cmd injected into first NCMD obs dims
    gate_obs = jnp.concatenate([cmd_norm, obs_t[:, NCMD:]], axis=-1)
    g = jnp.concatenate([gate_obs, z], axis=-1)
    g = jax.nn.elu(g @ p['g_W1'] + p['g_b1'])
    g = jax.nn.elu(g @ p['g_W2'] + p['g_b2'])
    w = jax.nn.softmax(g @ p['g_W3'] + p['g_b3'], axis=-1)
    # top-k renormalization
    topv, topi = jax.lax.top_k(w, TOPK)
    msk = jax.nn.one_hot(topi, K, dtype=w.dtype).sum(axis=1)
    wm = w * msk
    w = wm / wm.sum(axis=-1, keepdims=True)
    # frozen experts (all K evaluated densely, per-expert cmd mask)
    obs_k = jnp.concatenate([
        cmd_norm[None, :, :] * c['cmd_masks'][:, None, :],
        jnp.broadcast_to(obs_t[None, :, NCMD:], (K, B, OBS - NCMD))
    ], axis=-1)
    eh = jax.nn.elu(jnp.einsum('kbi,kio->kbo', obs_k, c['ex_W1']) + c['ex_b1'][:, None, :])
    eh = jax.nn.elu(jnp.einsum('kbi,kio->kbo', eh, c['ex_W2']) + c['ex_b2'][:, None, :])
    mus = jnp.einsum('kbi,kio->kbo', eh, c['ex_W3']) + c['ex_b3'][:, None, :]
    mu_mix = jnp.einsum('bk,kbj->bj', w, mus)
    # feature net: Linear-LN-ReLU x2, masked
    x = oz @ p['fn_W1'] + p['fn_b1']
    x = jax.nn.relu(_ln(x, p['fn_g1'], p['fn_be1']))
    x = x @ p['fn_W2'] + p['fn_b2']
    x = jax.nn.relu(_ln(x, p['fn_g2'], p['fn_be2']))
    feats = x * mask_t
    # state-dependent log std
    ls = jax.nn.relu(feats @ p['ls_W1'] + p['ls_b1']) @ p['ls_W2'] + p['ls_b2']
    log_std = jnp.clip(ls, LOG_STD_MIN, LOG_STD_MAX)
    # variance head
    sigma_raw = feats @ p['vh_W'] + p['vh_b']
    sigma = 0.05 + (0.5 - 0.05) * jax.nn.sigmoid(sigma_raw)
    log_sigma_pos_t = jnp.log(sigma)
    action_t = mu_mix
    return (action_t, mu_mix, log_std, log_sigma_pos_t, feats)


def reference(z, obs_t, mask_t, params, consts):
    return _forward(z, obs_t, mask_t, params, consts)

if __name__ == "__main__":
    import jax
    _d = setup_inputs()
    print(jax.jit(kernel)(*tuple(_d.values())))

</pallas_src>

<mosaic_0001>
#map = affine_map<(d0, d1) -> (0, 0)>
#map1 = affine_map<(d0, d1) -> (0)>
module attributes {stable_mosaic.version = 14 : i64} {
  func.func @_sc_combine_body(%arg0: i32, %arg1: i32, %arg2: memref<10240x128xf32, #tpu.memory_space<hbm>>, %arg3: memref<4096xi32, #tpu.memory_space<hbm>>, %arg4: memref<4096xi32, #tpu.memory_space<hbm>>, %arg5: memref<4096x128xf32, #tpu.memory_space<hbm>>, %arg6: memref<4096x128xf32, #tpu.memory_space<hbm>>, %arg7: memref<128xi32, #tpu.memory_space<vmem>>, %arg8: memref<128xi32, #tpu.memory_space<vmem>>, %arg9: memref<128x128xf32, #tpu.memory_space<vmem>>, %arg10: memref<128x128xf32, #tpu.memory_space<vmem>>, %arg11: memref<!tpu.dma_semaphore, #tpu.memory_space<semaphore_mem>>) attributes {dimension_semantics = [#tpu.dimension_semantics<core_parallel>, #tpu.dimension_semantics<subcore_parallel>], iteration_bounds = array<i64: 2, 16>, scalar_prefetch = 0 : i64, scratch_operands = 5 : i64, tpu.core_type = #tpu.core_type<sc_vector_subcore>, window_params = [{transform_indices = #map}, {transform_indices = #map1}, {transform_indices = #map1}, {transform_indices = #map}, {transform_indices = #map}]} {
    %mul3A = arith.constant 16 : i32
    %mul3A_0 = arith.muli %arg0, %mul3A : i32
    %add3A = arith.addi %mul3A_0, %arg1 : i32
    %mul3A_1 = arith.constant 128 : i32
    %mul3A_2 = arith.muli %add3A, %mul3A_1 : i32
    "tpu.region"() ({
      %run_scoped3A = tpu.sem_alloc : memref<!tpu.dma_semaphore, #tpu.memory_space<semaphore_mem>>
      %dma_start3A_65 = tpu.memref_slice %arg3[%mul3A_2] : memref<4096xi32, #tpu.memory_space<hbm>> -> memref<128xi32, #tpu.memory_space<hbm>>
      %dma_start3A_66 = tpu.memref_slice %arg3[%mul3A_2] : memref<4096xi32, #tpu.memory_space<hbm>> -> memref<128xi32, #tpu.memory_space<hbm>>
      tpu.enqueue_dma source(%dma_start3A_66 : memref<128xi32, #tpu.memory_space<hbm>>) target(%arg7 : memref<128xi32, #tpu.memory_space<vmem>>) target_semaphore(%run_scoped3A : memref<!tpu.dma_semaphore, #tpu.memory_space<semaphore_mem>>)
      %dma_wait3A_67 = tpu.memref_slice %arg3[%mul3A_2] : memref<4096xi32, #tpu.memory_space<hbm>> -> memref<128xi32, #tpu.memory_space<hbm>>
      %dma_wait3A_68 = tpu.memref_slice %arg3[%mul3A_2] : memref<4096xi32, #tpu.memory_space<hbm>> -> memref<128xi32, #tpu.memory_space<hbm>>
      tpu.wait_dma2 semaphore(%run_scoped3A : memref<!tpu.dma_semaphore, #tpu.memory_space<semaphore_mem>>) src(%dma_wait3A_68 : memref<128xi32, #tpu.memory_space<hbm>>) dst(%arg7 : memref<128xi32, #tpu.memory_space<vmem>>)
      tpu.yield
    }) : () -> ()
    "tpu.region"() ({
      %run_scoped3A = tpu.sem_alloc : memref<!tpu.dma_semaphore, #tpu.memory_space<semaphore_mem>>
      %dma_start3A_65 = tpu.memref_slice %arg4[%mul3A_2] : memref<4096xi32, #tpu.memory_space<hbm>> -> memref<128xi32, #tpu.memory_space<hbm>>
      %dma_start3A_66 = tpu.memref_slice %arg4[%mul3A_2] : memref<4096xi32, #tpu.memory_space<hbm>> -> memref<128xi32, #tpu.memory_space<hbm>>
      tpu.enqueue_dma source(%dma_start3A_66 : memref<128xi32, #tpu.memory_space<hbm>>) target(%arg8 : memref<128xi32, #tpu.memory_space<vmem>>) target_semaphore(%run_scoped3A : memref<!tpu.dma_semaphore, #tpu.memory_space<semaphore_mem>>)
      %dma_wait3A_67 = tpu.memref_slice %arg4[%mul3A_2] : memref<4096xi32, #tpu.memory_space<hbm>> -> memref<128xi32, #tpu.memory_space<hbm>>
      %dma_wait3A_68 = tpu.memref_slice %arg4[%mul3A_2] : memref<4096xi32, #tpu.memory_space<hbm>> -> memref<128xi32, #tpu.memory_space<hbm>>
      tpu.wait_dma2 semaphore(%run_scoped3A : memref<!tpu.dma_semaphore, #tpu.memory_space<semaphore_mem>>) src(%dma_wait3A_68 : memref<128xi32, #tpu.memory_space<hbm>>) dst(%arg8 : memref<128xi32, #tpu.memory_space<vmem>>)
      tpu.yield
    }) : () -> ()
    %dma_start3A = arith.constant 0 : i32
    %dma_start3A_3 = arith.constant 0 : i32
    %dma_start3A_4 = tpu.memref_slice %arg9[%dma_start3A, %dma_start3A_3] : memref<128x128xf32, #tpu.memory_space<vmem>> -> memref<64x128xf32, #tpu.memory_space<vmem>>
    %dma_start3A_5 = arith.constant 0 : i32
    %dma_start3A_6 = tpu.memref_slice %arg7[%dma_start3A_5] : memref<128xi32, #tpu.memory_space<vmem>> -> memref<64xi32, #tpu.memory_space<vmem>>
    %dma_start3A_7 = arith.constant 0 : i32
    %dma_start3A_8 = arith.constant 0 : i32
    %dma_start3A_9 = tpu.memref_slice %arg2[%dma_start3A_7, %dma_start3A_8] : memref<10240x128xf32, #tpu.memory_space<hbm>> -> memref<10240x128xf32, #tpu.memory_space<hbm>>
    tpu.enqueue_indirect_dma source(%dma_start3A_9 : memref<10240x128xf32, #tpu.memory_space<hbm>>) target(%dma_start3A_4 : memref<64x128xf32, #tpu.memory_space<vmem>>) offsets(%dma_start3A_6 : memref<64xi32, #tpu.memory_space<vmem>>) semaphore(%arg11 : memref<!tpu.dma_semaphore, #tpu.memory_space<semaphore_mem>>)
    %dma_wait3A = arith.constant 0 : i32
    %dma_wait3A_10 = arith.constant 0 : i32
    %dma_wait3A_11 = tpu.memref_slice %arg9[%dma_wait3A, %dma_wait3A_10] : memref<128x128xf32, #tpu.memory_space<vmem>> -> memref<64x128xf32, #tpu.memory_space<vmem>>
    %dma_wait3A_12 = arith.constant 0 : i32
    %dma_wait3A_13 = tpu.memref_slice %arg7[%dma_wait3A_12] : memref<128xi32, #tpu.memory_space<vmem>> -> memref<64xi32, #tpu.memory_space<vmem>>
    %dma_wait3A_14 = arith.constant 0 : i32
    %dma_wait3A_15 = arith.constant 0 : i32
    %dma_wait3A_16 = tpu.memref_slice %arg2[%dma_wait3A_14, %dma_wait3A_15] : memref<10240x128xf32, #tpu.memory_space<hbm>> -> memref<10240x128xf32, #tpu.memory_space<hbm>>
    tpu.wait_indirect_dma semaphore(%arg11 : memref<!tpu.dma_semaphore, #tpu.memory_space<semaphore_mem>>) src(%dma_wait3A_16 : memref<10240x128xf32, #tpu.memory_space<hbm>>) dst(%dma_wait3A_11 : memref<64x128xf32, #tpu.memory_space<vmem>>)
    %dma_start3A_17 = arith.constant 0 : i32
    %dma_start3A_18 = arith.constant 0 : i32
    %dma_start3A_19 = tpu.memref_slice %arg10[%dma_start3A_17, %dma_start3A_18] : memref<128x128xf32, #tpu.memory_space<vmem>> -> memref<64x128xf32, #tpu.memory_space<vmem>>
    %dma_start3A_20 = arith.constant 0 : i32
    %dma_start3A_21 = tpu.memref_slice %arg8[%dma_start3A_20] : memref<128xi32, #tpu.memory_space<vmem>> -> memref<64xi32, #tpu.memory_space<vmem>>
    %dma_start3A_22 = arith.constant 0 : i32
    %dma_start3A_23 = arith.constant 0 : i32
    %dma_start3A_24 = tpu.memref_slice %arg2[%dma_start3A_22, %dma_start3A_23] : memref<10240x128xf32, #tpu.memory_space<hbm>> -> memref<10240x128xf32, #tpu.memory_space<hbm>>
    tpu.enqueue_indirect_dma source(%dma_start3A_24 : memref<10240x128xf32, #tpu.memory_space<hbm>>) target(%dma_start3A_19 : memref<64x128xf32, #tpu.memory_space<vmem>>) offsets(%dma_start3A_21 : memref<64xi32, #tpu.memory_space<vmem>>) semaphore(%arg11 : memref<!tpu.dma_semaphore, #tpu.memory_space<semaphore_mem>>)
    %dma_wait3A_25 = arith.constant 0 : i32
    %dma_wait3A_26 = arith.constant 0 : i32
    %dma_wait3A_27 = tpu.memref_slice %arg10[%dma_wait3A_25, %dma_wait3A_26] : memref<128x128xf32, #tpu.memory_space<vmem>> -> memref<64x128xf32, #tpu.memory_space<vmem>>
    %dma_wait3A_28 = arith.constant 0 : i32
    %dma_wait3A_29 = tpu.memref_slice %arg8[%dma_wait3A_28] : memref<128xi32, #tpu.memory_space<vmem>> -> memref<64xi32, #tpu.memory_space<vmem>>
    %dma_wait3A_30 = arith.constant 0 : i32
    %dma_wait3A_31 = arith.constant 0 : i32
    %dma_wait3A_32 = tpu.memref_slice %arg2[%dma_wait3A_30, %dma_wait3A_31] : memref<10240x128xf32, #tpu.memory_space<hbm>> -> memref<10240x128xf32, #tpu.memory_space<hbm>>
    tpu.wait_indirect_dma semaphore(%arg11 : memref<!tpu.dma_semaphore, #tpu.memory_space<semaphore_mem>>) src(%dma_wait3A_32 : memref<10240x128xf32, #tpu.memory_space<hbm>>) dst(%dma_wait3A_27 : memref<64x128xf32, #tpu.memory_space<vmem>>)
    %dma_start3A_33 = arith.constant 64 : i32
    %dma_start3A_34 = arith.constant 0 : i32
    %dma_start3A_35 = tpu.memref_slice %arg9[%dma_start3A_33, %dma_start3A_34] : memref<128x128xf32, #tpu.memory_space<vmem>> -> memref<64x128xf32, #tpu.memory_space<vmem>>
    %dma_start3A_36 = arith.constant 64 : i32
    %dma_start3A_37 = tpu.memref_slice %arg7[%dma_start3A_36] : memref<128xi32, #tpu.memory_space<vmem>> -> memref<64xi32, #tpu.memory_space<vmem>>
    %dma_start3A_38 = arith.constant 0 : i32
    %dma_start3A_39 = arith.constant 0 : i32
    %dma_start3A_40 = tpu.memref_slice %arg2[%dma_start3A_38, %dma_start3A_39] : memref<10240x128xf32, #tpu.memory_space<hbm>> -> memref<10240x128xf32, #tpu.memory_space<hbm>>
    tpu.enqueue_indirect_dma source(%dma_start3A_40 : memref<10240x128xf32, #tpu.memory_space<hbm>>) target(%dma_start3A_35 : memref<64x128xf32, #tpu.memory_space<vmem>>) offsets(%dma_start3A_37 : memref<64xi32, #tpu.memory_space<vmem>>) semaphore(%arg11 : memref<!tpu.dma_semaphore, #tpu.memory_space<semaphore_mem>>)
    %dma_wait3A_41 = arith.constant 64 : i32
    %dma_wait3A_42 = arith.constant 0 : i32
    %dma_wait3A_43 = tpu.memref_slice %arg9[%dma_wait3A_41, %dma_wait3A_42] : memref<128x128xf32, #tpu.memory_space<vmem>> -> memref<64x128xf32, #tpu.memory_space<vmem>>
    %dma_wait3A_44 = arith.constant 64 : i32
    %dma_wait3A_45 = tpu.memref_slice %arg7[%dma_wait3A_44] : memref<128xi32, #tpu.memory_space<vmem>> -> memref<64xi32, #tpu.memory_space<vmem>>
    %dma_wait3A_46 = arith.constant 0 : i32
    %dma_wait3A_47 = arith.constant 0 : i32
    %dma_wait3A_48 = tpu.memref_slice %arg2[%dma_wait3A_46, %dma_wait3A_47] : memref<10240x128xf32, #tpu.memory_space<hbm>> -> memref<10240x128xf32, #tpu.memory_space<hbm>>
    tpu.wait_indirect_dma semaphore(%arg11 : memref<!tpu.dma_semaphore, #tpu.memory_space<semaphore_mem>>) src(%dma_wait3A_48 : memref<10240x128xf32, #tpu.memory_space<hbm>>) dst(%dma_wait3A_43 : memref<64x128xf32, #tpu.memory_space<vmem>>)
    %dma_start3A_49 = arith.constant 64 : i32
    %dma_start3A_50 = arith.constant 0 : i32
    %dma_start3A_51 = tpu.memref_slice %arg10[%dma_start3A_49, %dma_start3A_50] : memref<128x128xf32, #tpu.memory_space<vmem>> -> memref<64x128xf32, #tpu.memory_space<vmem>>
    %dma_start3A_52 = arith.constant 64 : i32
    %dma_start3A_53 = tpu.memref_slice %arg8[%dma_start3A_52] : memref<128xi32, #tpu.memory_space<vmem>> -> memref<64xi32, #tpu.memory_space<vmem>>
    %dma_start3A_54 = arith.constant 0 : i32
    %dma_start3A_55 = arith.constant 0 : i32
    %dma_start3A_56 = tpu.memref_slice %arg2[%dma_start3A_54, %dma_start3A_55] : memref<10240x128xf32, #tpu.memory_space<hbm>> -> memref<10240x128xf32, #tpu.memory_space<hbm>>
    tpu.enqueue_indirect_dma source(%dma_start3A_56 : memref<10240x128xf32, #tpu.memory_space<hbm>>) target(%dma_start3A_51 : memref<64x128xf32, #tpu.memory_space<vmem>>) offsets(%dma_start3A_53 : memref<64xi32, #tpu.memory_space<vmem>>) semaphore(%arg11 : memref<!tpu.dma_semaphore, #tpu.memory_space<semaphore_mem>>)
    %dma_wait3A_57 = arith.constant 64 : i32
    %dma_wait3A_58 = arith.constant 0 : i32
    %dma_wait3A_59 = tpu.memref_slice %arg10[%dma_wait3A_57, %dma_wait3A_58] : memref<128x128xf32, #tpu.memory_space<vmem>> -> memref<64x128xf32, #tpu.memory_space<vmem>>
    %dma_wait3A_60 = arith.constant 64 : i32
    %dma_wait3A_61 = tpu.memref_slice %arg8[%dma_wait3A_60] : memref<128xi32, #tpu.memory_space<vmem>> -> memref<64xi32, #tpu.memory_space<vmem>>
    %dma_wait3A_62 = arith.constant 0 : i32
    %dma_wait3A_63 = arith.constant 0 : i32
    %dma_wait3A_64 = tpu.memref_slice %arg2[%dma_wait3A_62, %dma_wait3A_63] : memref<10240x128xf32, #tpu.memory_space<hbm>> -> memref<10240x128xf32, #tpu.memory_space<hbm>>
    tpu.wait_indirect_dma semaphore(%arg11 : memref<!tpu.dma_semaphore, #tpu.memory_space<semaphore_mem>>) src(%dma_wait3A_64 : memref<10240x128xf32, #tpu.memory_space<hbm>>) dst(%dma_wait3A_59 : memref<64x128xf32, #tpu.memory_space<vmem>>)
    "tpu.region"() ({
      %run_scoped3A = tpu.sem_alloc : memref<!tpu.dma_semaphore, #tpu.memory_space<semaphore_mem>>
      %dma_start3A_65 = arith.constant 0 : i32
      %dma_start3A_66 = tpu.memref_slice %arg5[%mul3A_2, %dma_start3A_65] : memref<4096x128xf32, #tpu.memory_space<hbm>> -> memref<128x128xf32, #tpu.memory_space<hbm>>
      %dma_start3A_67 = arith.constant 0 : i32
      %dma_start3A_68 = tpu.memref_slice %arg5[%mul3A_2, %dma_start3A_67] : memref<4096x128xf32, #tpu.memory_space<hbm>> -> memref<128x128xf32, #tpu.memory_space<hbm>>
      tpu.enqueue_dma source(%arg9 : memref<128x128xf32, #tpu.memory_space<vmem>>) target(%dma_start3A_68 : memref<128x128xf32, #tpu.memory_space<hbm>>) target_semaphore(%run_scoped3A : memref<!tpu.dma_semaphore, #tpu.memory_space<semaphore_mem>>)
      %dma_wait3A_69 = arith.constant 0 : i32
      %dma_wait3A_70 = tpu.memref_slice %arg5[%mul3A_2, %dma_wait3A_69] : memref<4096x128xf32, #tpu.memory_space<hbm>> -> memref<128x128xf32, #tpu.memory_space<hbm>>
      %dma_wait3A_71 = arith.constant 0 : i32
      %dma_wait3A_72 = tpu.memref_slice %arg5[%mul3A_2, %dma_wait3A_71] : memref<4096x128xf32, #tpu.memory_space<hbm>> -> memref<128x128xf32, #tpu.memory_space<hbm>>
      tpu.wait_dma2 semaphore(%run_scoped3A : memref<!tpu.dma_semaphore, #tpu.memory_space<semaphore_mem>>) src(%arg9 : memref<128x128xf32, #tpu.memory_space<vmem>>) dst(%dma_wait3A_72 : memref<128x128xf32, #tpu.memory_space<hbm>>)
      tpu.yield
    }) : () -> ()
    "tpu.region"() ({
      %run_scoped3A = tpu.sem_alloc : memref<!tpu.dma_semaphore, #tpu.memory_space<semaphore_mem>>
      %dma_start3A_65 = arith.constant 0 : i32
      %dma_start3A_66 = tpu.memref_slice %arg6[%mul3A_2, %dma_start3A_65] : memref<4096x128xf32, #tpu.memory_space<hbm>> -> memref<128x128xf32, #tpu.memory_space<hbm>>
      %dma_start3A_67 = arith.constant 0 : i32
      %dma_start3A_68 = tpu.memref_slice %arg6[%mul3A_2, %dma_start3A_67] : memref<4096x128xf32, #tpu.memory_space<hbm>> -> memref<128x128xf32, #tpu.memory_space<hbm>>
      tpu.enqueue_dma source(%arg10 : memref<128x128xf32, #tpu.memory_space<vmem>>) target(%dma_start3A_68 : memref<128x128xf32, #tpu.memory_space<hbm>>) target_semaphore(%run_scoped3A : memref<!tpu.dma_semaphore, #tpu.memory_space<semaphore_mem>>)
      %dma_wait3A_69 = arith.constant 0 : i32
      %dma_wait3A_70 = tpu.memref_slice %arg6[%mul3A_2, %dma_wait3A_69] : memref<4096x128xf32, #tpu.memory_space<hbm>> -> memref<128x128xf32, #tpu.memory_space<hbm>>
      %dma_wait3A_71 = arith.constant 0 : i32
      %dma_wait3A_72 = tpu.memref_slice %arg6[%mul3A_2, %dma_wait3A_71] : memref<4096x128xf32, #tpu.memory_space<hbm>> -> memref<128x128xf32, #tpu.memory_space<hbm>>
      tpu.wait_dma2 semaphore(%run_scoped3A : memref<!tpu.dma_semaphore, #tpu.memory_space<semaphore_mem>>) src(%arg10 : memref<128x128xf32, #tpu.memory_space<vmem>>) dst(%dma_wait3A_72 : memref<128x128xf32, #tpu.memory_space<hbm>>)
      tpu.yield
    }) : () -> ()
    return
  }
}

#map = affine_map<(d0, d1) -> (0)>
#map1 = affine_map<(d0, d1) -> (0, 0)>
module attributes {stable_mosaic.version = 14 : i64} {
  func.func @_sc_push_dispatch_body(%arg0: i32, %arg1: i32, %arg2: memref<4096xi32, #tpu.memory_space<hbm>>, %arg3: memref<4096xi32, #tpu.memory_space<hbm>>, %arg4: memref<4096xf32, #tpu.memory_space<hbm>>, %arg5: memref<4096xf32, #tpu.memory_space<hbm>>, %arg6: memref<4096x128xf32, #tpu.memory_space<hbm>>, %arg7: memref<10240x128xf32, #tpu.memory_space<hbm>>, %arg8: memref<128xi32, #tpu.memory_space<vmem>>, %arg9: memref<128xi32, #tpu.memory_space<vmem>>, %arg10: memref<128xf32, #tpu.memory_space<vmem>>, %arg11: memref<128xf32, #tpu.memory_space<vmem>>, %arg12: memref<128x128xf32, #tpu.memory_space<vmem>>, %arg13: memref<!tpu.dma_semaphore, #tpu.memory_space<semaphore_mem>>) attributes {dimension_semantics = [#tpu.dimension_semantics<core_parallel>, #tpu.dimension_semantics<subcore_parallel>], iteration_bounds = array<i64: 2, 16>, scalar_prefetch = 0 : i64, scratch_operands = 6 : i64, tpu.core_type = #tpu.core_type<sc_vector_subcore>, window_params = [{transform_indices = #map}, {transform_indices = #map}, {transform_indices = #map}, {transform_indices = #map}, {transform_indices = #map1}, {transform_indices = #map1}]} {
    %mul3A = arith.constant 16 : i32
    %mul3A_0 = arith.muli %arg0, %mul3A : i32
    %add3A = arith.addi %mul3A_0, %arg1 : i32
    %mul3A_1 = arith.constant 128 : i32
    %mul3A_2 = arith.muli %add3A, %mul3A_1 : i32
    "tpu.region"() ({
      %run_scoped3A = tpu.sem_alloc : memref<!tpu.dma_semaphore, #tpu.memory_space<semaphore_mem>>
      %dma_start3A_108 = arith.constant 0 : i32
      %dma_start3A_109 = tpu.memref_slice %arg6[%mul3A_2, %dma_start3A_108] : memref<4096x128xf32, #tpu.memory_space<hbm>> -> memref<128x128xf32, #tpu.memory_space<hbm>>
      %dma_start3A_110 = arith.constant 0 : i32
      %dma_start3A_111 = tpu.memref_slice %arg6[%mul3A_2, %dma_start3A_110] : memref<4096x128xf32, #tpu.memory_space<hbm>> -> memref<128x128xf32, #tpu.memory_space<hbm>>
      tpu.enqueue_dma source(%dma_start3A_111 : memref<128x128xf32, #tpu.memory_space<hbm>>) target(%arg12 : memref<128x128xf32, #tpu.memory_space<vmem>>) target_semaphore(%run_scoped3A : memref<!tpu.dma_semaphore, #tpu.memory_space<semaphore_mem>>)
      %dma_wait3A_112 = arith.constant 0 : i32
      %dma_wait3A_113 = tpu.memref_slice %arg6[%mul3A_2, %dma_wait3A_112] : memref<4096x128xf32, #tpu.memory_space<hbm>> -> memref<128x128xf32, #tpu.memory_space<hbm>>
      %dma_wait3A_114 = arith.constant 0 : i32
      %dma_wait3A_115 = tpu.memref_slice %arg6[%mul3A_2, %dma_wait3A_114] : memref<4096x128xf32, #tpu.memory_space<hbm>> -> memref<128x128xf32, #tpu.memory_space<hbm>>
      tpu.wait_dma2 semaphore(%run_scoped3A : memref<!tpu.dma_semaphore, #tpu.memory_space<semaphore_mem>>) src(%dma_wait3A_115 : memref<128x128xf32, #tpu.memory_space<hbm>>) dst(%arg12 : memref<128x128xf32, #tpu.memory_space<vmem>>)
      tpu.yield
    }) : () -> ()
    "tpu.region"() ({
      %run_scoped3A = tpu.sem_alloc : memref<!tpu.dma_semaphore, #tpu.memory_space<semaphore_mem>>
      %dma_start3A_108 = tpu.memref_slice %arg2[%mul3A_2] : memref<4096xi32, #tpu.memory_space<hbm>> -> memref<128xi32, #tpu.memory_space<hbm>>
      %dma_start3A_109 = tpu.memref_slice %arg2[%mul3A_2] : memref<4096xi32, #tpu.memory_space<hbm>> -> memref<128xi32, #tpu.memory_space<hbm>>
      tpu.enqueue_dma source(%dma_start3A_109 : memref<128xi32, #tpu.memory_space<hbm>>) target(%arg8 : memref<128xi32, #tpu.memory_space<vmem>>) target_semaphore(%run_scoped3A : memref<!tpu.dma_semaphore, #tpu.memory_space<semaphore_mem>>)
      %dma_wait3A_110 = tpu.memref_slice %arg2[%mul3A_2] : memref<4096xi32, #tpu.memory_space<hbm>> -> memref<128xi32, #tpu.memory_space<hbm>>
      %dma_wait3A_111 = tpu.memref_slice %arg2[%mul3A_2] : memref<4096xi32, #tpu.memory_space<hbm>> -> memref<128xi32, #tpu.memory_space<hbm>>
      tpu.wait_dma2 semaphore(%run_scoped3A : memref<!tpu.dma_semaphore, #tpu.memory_space<semaphore_mem>>) src(%dma_wait3A_111 : memref<128xi32, #tpu.memory_space<hbm>>) dst(%arg8 : memref<128xi32, #tpu.memory_space<vmem>>)
      tpu.yield
    }) : () -> ()
    "tpu.region"() ({
      %run_scoped3A = tpu.sem_alloc : memref<!tpu.dma_semaphore, #tpu.memory_space<semaphore_mem>>
      %dma_start3A_108 = tpu.memref_slice %arg3[%mul3A_2] : memref<4096xi32, #tpu.memory_space<hbm>> -> memref<128xi32, #tpu.memory_space<hbm>>
      %dma_start3A_109 = tpu.memref_slice %arg3[%mul3A_2] : memref<4096xi32, #tpu.memory_space<hbm>> -> memref<128xi32, #tpu.memory_space<hbm>>
      tpu.enqueue_dma source(%dma_start3A_109 : memref<128xi32, #tpu.memory_space<hbm>>) target(%arg9 : memref<128xi32, #tpu.memory_space<vmem>>) target_semaphore(%run_scoped3A : memref<!tpu.dma_semaphore, #tpu.memory_space<semaphore_mem>>)
      %dma_wait3A_110 = tpu.memref_slice %arg3[%mul3A_2] : memref<4096xi32, #tpu.memory_space<hbm>> -> memref<128xi32, #tpu.memory_space<hbm>>
      %dma_wait3A_111 = tpu.memref_slice %arg3[%mul3A_2] : memref<4096xi32, #tpu.memory_space<hbm>> -> memref<128xi32, #tpu.memory_space<hbm>>
      tpu.wait_dma2 semaphore(%run_scoped3A : memref<!tpu.dma_semaphore, #tpu.memory_space<semaphore_mem>>) src(%dma_wait3A_111 : memref<128xi32, #tpu.memory_space<hbm>>) dst(%arg9 : memref<128xi32, #tpu.memory_space<vmem>>)
      tpu.yield
    }) : () -> ()
    "tpu.region"() ({
      %run_scoped3A = tpu.sem_alloc : memref<!tpu.dma_semaphore, #tpu.memory_space<semaphore_mem>>
      %dma_start3A_108 = tpu.memref_slice %arg4[%mul3A_2] : memref<4096xf32, #tpu.memory_space<hbm>> -> memref<128xf32, #tpu.memory_space<hbm>>
      %dma_start3A_109 = tpu.memref_slice %arg4[%mul3A_2] : memref<4096xf32, #tpu.memory_space<hbm>> -> memref<128xf32, #tpu.memory_space<hbm>>
      tpu.enqueue_dma source(%dma_start3A_109 : memref<128xf32, #tpu.memory_space<hbm>>) target(%arg10 : memref<128xf32, #tpu.memory_space<vmem>>) target_semaphore(%run_scoped3A : memref<!tpu.dma_semaphore, #tpu.memory_space<semaphore_mem>>)
      %dma_wait3A_110 = tpu.memref_slice %arg4[%mul3A_2] : memref<4096xf32, #tpu.memory_space<hbm>> -> memref<128xf32, #tpu.memory_space<hbm>>
      %dma_wait3A_111 = tpu.memref_slice %arg4[%mul3A_2] : memref<4096xf32, #tpu.memory_space<hbm>> -> memref<128xf32, #tpu.memory_space<hbm>>
      tpu.wait_dma2 semaphore(%run_scoped3A : memref<!tpu.dma_semaphore, #tpu.memory_space<semaphore_mem>>) src(%dma_wait3A_111 : memref<128xf32, #tpu.memory_space<hbm>>) dst(%arg10 : memref<128xf32, #tpu.memory_space<vmem>>)
      tpu.yield
    }) : () -> ()
    "tpu.region"() ({
      %run_scoped3A = tpu.sem_alloc : memref<!tpu.dma_semaphore, #tpu.memory_space<semaphore_mem>>
      %dma_start3A_108 = tpu.memref_slice %arg5[%mul3A_2] : memref<4096xf32, #tpu.memory_space<hbm>> -> memref<128xf32, #tpu.memory_space<hbm>>
      %dma_start3A_109 = tpu.memref_slice %arg5[%mul3A_2] : memref<4096xf32, #tpu.memory_space<hbm>> -> memref<128xf32, #tpu.memory_space<hbm>>
      tpu.enqueue_dma source(%dma_start3A_109 : memref<128xf32, #tpu.memory_space<hbm>>) target(%arg11 : memref<128xf32, #tpu.memory_space<vmem>>) target_semaphore(%run_scoped3A : memref<!tpu.dma_semaphore, #tpu.memory_space<semaphore_mem>>)
      %dma_wait3A_110 = tpu.memref_slice %arg5[%mul3A_2] : memref<4096xf32, #tpu.memory_space<hbm>> -> memref<128xf32, #tpu.memory_space<hbm>>
      %dma_wait3A_111 = tpu.memref_slice %arg5[%mul3A_2] : memref<4096xf32, #tpu.memory_space<hbm>> -> memref<128xf32, #tpu.memory_space<hbm>>
      tpu.wait_dma2 semaphore(%run_scoped3A : memref<!tpu.dma_semaphore, #tpu.memory_space<semaphore_mem>>) src(%dma_wait3A_111 : memref<128xf32, #tpu.memory_space<hbm>>) dst(%arg11 : memref<128xf32, #tpu.memory_space<vmem>>)
      tpu.yield
    }) : () -> ()
    %broadcast_in_dim3A = arith.constant 127 : i32
    %broadcast_in_dim3A_3 = vector.broadcast %broadcast_in_dim3A : i32 to vector<16xi32>
    %iota3A = tpu.iota {dimensions = array<i32: 0>} : vector<16xi32>
    %add3A_4 = arith.constant 0 : i32
    %add3A_5 = vector.broadcast %add3A_4 : i32 to vector<16xi32>
    %add3A_6 = arith.addi %iota3A, %add3A_5 : vector<16xi32>
    %get3A = arith.constant 0 : index
    %get3A_7 = tpu.vector_load %arg10[%get3A] {strides = array<i32>} : memref<128xf32, #tpu.memory_space<vmem>>, vector<16xf32>,
    tpu.vector_store_idx %arg12[%add3A_6, %broadcast_in_dim3A_3], %get3A_7 : memref<128x128xf32, #tpu.memory_space<vmem>>[vector<16xi32>, vector<16xi32>], vector<16xf32>,
    %iota3A_8 = tpu.iota {dimensions = array<i32: 0>} : vector<16xi32>
    %add3A_9 = arith.constant 16 : i32
    %add3A_10 = vector.broadcast %add3A_9 : i32 to vector<16xi32>
    %add3A_11 = arith.addi %iota3A_8, %add3A_10 : vector<16xi32>
    %get3A_12 = arith.constant 16 : index
    %get3A_13 = tpu.vector_load %arg10[%get3A_12] {strides = array<i32>} : memref<128xf32, #tpu.memory_space<vmem>>, vector<16xf32>,
    tpu.vector_store_idx %arg12[%add3A_11, %broadcast_in_dim3A_3], %get3A_13 : memref<128x128xf32, #tpu.memory_space<vmem>>[vector<16xi32>, vector<16xi32>], vector<16xf32>,
    %iota3A_14 = tpu.iota {dimensions = array<i32: 0>} : vector<16xi32>
    %add3A_15 = arith.constant 32 : i32
    %add3A_16 = vector.broadcast %add3A_15 : i32 to vector<16xi32>
    %add3A_17 = arith.addi %iota3A_14, %add3A_16 : vector<16xi32>
    %get3A_18 = arith.constant 32 : index
    %get3A_19 = tpu.vector_load %arg10[%get3A_18] {strides = array<i32>} : memref<128xf32, #tpu.memory_space<vmem>>, vector<16xf32>,
    tpu.vector_store_idx %arg12[%add3A_17, %broadcast_in_dim3A_3], %get3A_19 : memref<128x128xf32, #tpu.memory_space<vmem>>[vector<16xi32>, vector<16xi32>], vector<16xf32>,
    %iota3A_20 = tpu.iota {dimensions = array<i32: 0>} : vector<16xi32>
    %add3A_21 = arith.constant 48 : i32
    %add3A_22 = vector.broadcast %add3A_21 : i32 to vector<16xi32>
    %add3A_23 = arith.addi %iota3A_20, %add3A_22 : vector<16xi32>
    %get3A_24 = arith.constant 48 : index
    %get3A_25 = tpu.vector_load %arg10[%get3A_24] {strides = array<i32>} : memref<128xf32, #tpu.memory_space<vmem>>, vector<16xf32>,
    tpu.vector_store_idx %arg12[%add3A_23, %broadcast_in_dim3A_3], %get3A_25 : memref<128x128xf32, #tpu.memory_space<vmem>>[vector<16xi32>, vector<16xi32>], vector<16xf32>,
    %iota3A_26 = tpu.iota {dimensions = array<i32: 0>} : vector<16xi32>
    %add3A_27 = arith.constant 64 : i32
    %add3A_28 = vector.broadcast %add3A_27 : i32 to vector<16xi32>
    %add3A_29 = arith.addi %iota3A_26, %add3A_28 : vector<16xi32>
    %get3A_30 = arith.constant 64 : index
    %get3A_31 = tpu.vector_load %arg10[%get3A_30] {strides = array<i32>} : memref<128xf32, #tpu.memory_space<vmem>>, vector<16xf32>,
    tpu.vector_store_idx %arg12[%add3A_29, %broadcast_in_dim3A_3], %get3A_31 : memref<128x128xf32, #tpu.memory_space<vmem>>[vector<16xi32>, vector<16xi32>], vector<16xf32>,
    %iota3A_32 = tpu.iota {dimensions = array<i32: 0>} : vector<16xi32>
    %add3A_33 = arith.constant 80 : i32
    %add3A_34 = vector.broadcast %add3A_33 : i32 to vector<16xi32>
    %add3A_35 = arith.addi %iota3A_32, %add3A_34 : vector<16xi32>
    %get3A_36 = arith.constant 80 : index
    %get3A_37 = tpu.vector_load %arg10[%get3A_36] {strides = array<i32>} : memref<128xf32, #tpu.memory_space<vmem>>, vector<16xf32>,
    tpu.vector_store_idx %arg12[%add3A_35, %broadcast_in_dim3A_3], %get3A_37 : memref<128x128xf32, #tpu.memory_space<vmem>>[vector<16xi32>, vector<16xi32>], vector<16xf32>,
    %iota3A_38 = tpu.iota {dimensions = array<i32: 0>} : vector<16xi32>
    %add3A_39 = arith.constant 96 : i32
    %add3A_40 = vector.broadcast %add3A_39 : i32 to vector<16xi32>
    %add3A_41 = arith.addi %iota3A_38, %add3A_40 : vector<16xi32>
    %get3A_42 = arith.constant 96 : index
    %get3A_43 = tpu.vector_load %arg10[%get3A_42] {strides = array<i32>} : memref<128xf32, #tpu.memory_space<vmem>>, vector<16xf32>,
    tpu.vector_store_idx %arg12[%add3A_41, %broadcast_in_dim3A_3], %get3A_43 : memref<128x128xf32, #tpu.memory_space<vmem>>[vector<16xi32>, vector<16xi32>], vector<16xf32>,
    %iota3A_44 = tpu.iota {dimensions = array<i32: 0>} : vector<16xi32>
    %add3A_45 = arith.constant 112 : i32
    %add3A_46 = vector.broadcast %add3A_45 : i32 to vector<16xi32>
    %add3A_47 = arith.addi %iota3A_44, %add3A_46 : vector<16xi32>
    %get3A_48 = arith.constant 112 : index
    %get3A_49 = tpu.vector_load %arg10[%get3A_48] {strides = array<i32>} : memref<128xf32, #tpu.memory_space<vmem>>, vector<16xf32>,
    tpu.vector_store_idx %arg12[%add3A_47, %broadcast_in_dim3A_3], %get3A_49 : memref<128x128xf32, #tpu.memory_space<vmem>>[vector<16xi32>, vector<16xi32>], vector<16xf32>,
    %dma_start3A = arith.constant 0 : i32
    %dma_start3A_50 = arith.constant 0 : i32
    %dma_start3A_51 = tpu.memref_slice %arg7[%dma_start3A, %dma_start3A_50] : memref<10240x128xf32, #tpu.memory_space<hbm>> -> memref<10240x128xf32, #tpu.memory_space<hbm>>
    tpu.enqueue_indirect_dma source(%arg12 : memref<128x128xf32, #tpu.memory_space<vmem>>) target(%dma_start3A_51 : memref<10240x128xf32, #tpu.memory_space<hbm>>) offsets(%arg8 : memref<128xi32, #tpu.memory_space<vmem>>) semaphore(%arg13 : memref<!tpu.dma_semaphore, #tpu.memory_space<semaphore_mem>>)
    %dma_wait3A = arith.constant 0 : i32
    %dma_wait3A_52 = arith.constant 0 : i32
    %dma_wait3A_53 = tpu.memref_slice %arg7[%dma_wait3A, %dma_wait3A_52] : memref<10240x128xf32, #tpu.memory_space<hbm>> -> memref<10240x128xf32, #tpu.memory_space<hbm>>
    tpu.wait_indirect_dma semaphore(%arg13 : memref<!tpu.dma_semaphore, #tpu.memory_space<semaphore_mem>>) src(%arg12 : memref<128x128xf32, #tpu.memory_space<vmem>>) dst(%dma_wait3A_53 : memref<10240x128xf32, #tpu.memory_space<hbm>>)
    %iota3A_54 = tpu.iota {dimensions = array<i32: 0>} : vector<16xi32>
    %add3A_55 = arith.constant 0 : i32
    %add3A_56 = vector.broadcast %add3A_55 : i32 to vector<16xi32>
    %add3A_57 = arith.addi %iota3A_54, %add3A_56 : vector<16xi32>
    %get3A_58 = arith.constant 0 : index
    %get3A_59 = tpu.vector_load %arg11[%get3A_58] {strides = array<i32>} : memref<128xf32, #tpu.memory_space<vmem>>, vector<16xf32>,
    tpu.vector_store_idx %arg12[%add3A_57, %broadcast_in_dim3A_3], %get3A_59 : memref<128x128xf32, #tpu.memory_space<vmem>>[vector<16xi32>, vector<16xi32>], vector<16xf32>,
    %iota3A_60 = tpu.iota {dimensions = array<i32: 0>} : vector<16xi32>
    %add3A_61 = arith.constant 16 : i32
    %add3A_62 = vector.broadcast %add3A_61 : i32 to vector<16xi32>
    %add3A_63 = arith.addi %iota3A_60, %add3A_62 : vector<16xi32>
    %get3A_64 = arith.constant 16 : index
    %get3A_65 = tpu.vector_load %arg11[%get3A_64] {strides = array<i32>} : memref<128xf32, #tpu.memory_space<vmem>>, vector<16xf32>,
    tpu.vector_store_idx %arg12[%add3A_63, %broadcast_in_dim3A_3], %get3A_65 : memref<128x128xf32, #tpu.memory_space<vmem>>[vector<16xi32>, vector<16xi32>], vector<16xf32>,
    %iota3A_66 = tpu.iota {dimensions = array<i32: 0>} : vector<16xi32>
    %add3A_67 = arith.constant 32 : i32
    %add3A_68 = vector.broadcast %add3A_67 : i32 to vector<16xi32>
    %add3A_69 = arith.addi %iota3A_66, %add3A_68 : vector<16xi32>
    %get3A_70 = arith.constant 32 : index
    %get3A_71 = tpu.vector_load %arg11[%get3A_70] {strides = array<i32>} : memref<128xf32, #tpu.memory_space<vmem>>, vector<16xf32>,
    tpu.vector_store_idx %arg12[%add3A_69, %broadcast_in_dim3A_3], %get3A_71 : memref<128x128xf32, #tpu.memory_space<vmem>>[vector<16xi32>, vector<16xi32>], vector<16xf32>,
    %iota3A_72 = tpu.iota {dimensions = array<i32: 0>} : vector<16xi32>
    %add3A_73 = arith.constant 48 : i32
    %add3A_74 = vector.broadcast %add3A_73 : i32 to vector<16xi32>
    %add3A_75 = arith.addi %iota3A_72, %add3A_74 : vector<16xi32>
    %get3A_76 = arith.constant 48 : index
    %get3A_77 = tpu.vector_load %arg11[%get3A_76] {strides = array<i32>} : memref<128xf32, #tpu.memory_space<vmem>>, vector<16xf32>,
    tpu.vector_store_idx %arg12[%add3A_75, %broadcast_in_dim3A_3], %get3A_77 : memref<128x128xf32, #tpu.memory_space<vmem>>[vector<16xi32>, vector<16xi32>], vector<16xf32>,
    %iota3A_78 = tpu.iota {dimensions = array<i32: 0>} : vector<16xi32>
    %add3A_79 = arith.constant 64 : i32
    %add3A_80 = vector.broadcast %add3A_79 : i32 to vector<16xi32>
    %add3A_81 = arith.addi %iota3A_78, %add3A_80 : vector<16xi32>
    %get3A_82 = arith.constant 64 : index
    %get3A_83 = tpu.vector_load %arg11[%get3A_82] {strides = array<i32>} : memref<128xf32, #tpu.memory_space<vmem>>, vector<16xf32>,
    tpu.vector_store_idx %arg12[%add3A_81, %broadcast_in_dim3A_3], %get3A_83 : memref<128x128xf32, #tpu.memory_space<vmem>>[vector<16xi32>, vector<16xi32>], vector<16xf32>,
    %iota3A_84 = tpu.iota {dimensions = array<i32: 0>} : vector<16xi32>
    %add3A_85 = arith.constant 80 : i32
    %add3A_86 = vector.broadcast %add3A_85 : i32 to vector<16xi32>
    %add3A_87 = arith.addi %iota3A_84, %add3A_86 : vector<16xi32>
    %get3A_88 = arith.constant 80 : index
    %get3A_89 = tpu.vector_load %arg11[%get3A_88] {strides = array<i32>} : memref<128xf32, #tpu.memory_space<vmem>>, vector<16xf32>,
    tpu.vector_store_idx %arg12[%add3A_87, %broadcast_in_dim3A_3], %get3A_89 : memref<128x128xf32, #tpu.memory_space<vmem>>[vector<16xi32>, vector<16xi32>], vector<16xf32>,
    %iota3A_90 = tpu.iota {dimensions = array<i32: 0>} : vector<16xi32>
    %add3A_91 = arith.constant 96 : i32
    %add3A_92 = vector.broadcast %add3A_91 : i32 to vector<16xi32>
    %add3A_93 = arith.addi %iota3A_90, %add3A_92 : vector<16xi32>
    %get3A_94 = arith.constant 96 : index
    %get3A_95 = tpu.vector_load %arg11[%get3A_94] {strides = array<i32>} : memref<128xf32, #tpu.memory_space<vmem>>, vector<16xf32>,
    tpu.vector_store_idx %arg12[%add3A_93, %broadcast_in_dim3A_3], %get3A_95 : memref<128x128xf32, #tpu.memory_space<vmem>>[vector<16xi32>, vector<16xi32>], vector<16xf32>,
    %iota3A_96 = tpu.iota {dimensions = array<i32: 0>} : vector<16xi32>
    %add3A_97 = arith.constant 112 : i32
    %add3A_98 = vector.broadcast %add3A_97 : i32 to vector<16xi32>
    %add3A_99 = arith.addi %iota3A_96, %add3A_98 : vector<16xi32>
    %get3A_100 = arith.constant 112 : index
    %get3A_101 = tpu.vector_load %arg11[%get3A_100] {strides = array<i32>} : memref<128xf32, #tpu.memory_space<vmem>>, vector<16xf32>,
    tpu.vector_store_idx %arg12[%add3A_99, %broadcast_in_dim3A_3], %get3A_101 : memref<128x128xf32, #tpu.memory_space<vmem>>[vector<16xi32>, vector<16xi32>], vector<16xf32>,
    %dma_start3A_102 = arith.constant 0 : i32
    %dma_start3A_103 = arith.constant 0 : i32
    %dma_start3A_104 = tpu.memref_slice %arg7[%dma_start3A_102, %dma_start3A_103] : memref<10240x128xf32, #tpu.memory_space<hbm>> -> memref<10240x128xf32, #tpu.memory_space<hbm>>
    tpu.enqueue_indirect_dma source(%arg12 : memref<128x128xf32, #tpu.memory_space<vmem>>) target(%dma_start3A_104 : memref<10240x128xf32, #tpu.memory_space<hbm>>) offsets(%arg9 : memref<128xi32, #tpu.memory_space<vmem>>) semaphore(%arg13 : memref<!tpu.dma_semaphore, #tpu.memory_space<semaphore_mem>>)
    %dma_wait3A_105 = arith.constant 0 : i32
    %dma_wait3A_106 = arith.constant 0 : i32
    %dma_wait3A_107 = tpu.memref_slice %arg7[%dma_wait3A_105, %dma_wait3A_106] : memref<10240x128xf32, #tpu.memory_space<hbm>> -> memref<10240x128xf32, #tpu.memory_space<hbm>>
    tpu.wait_indirect_dma semaphore(%arg13 : memref<!tpu.dma_semaphore, #tpu.memory_space<semaphore_mem>>) src(%arg12 : memref<128x128xf32, #tpu.memory_space<vmem>>) dst(%dma_wait3A_107 : memref<10240x128xf32, #tpu.memory_space<hbm>>)
    return
  }
}

module attributes {stable_mosaic.version = 14 : i64} {
  func.func @_gate_body(%arg0: i32, %arg1: memref<512x72xf32, #tpu.memory_space<vmem>>, %arg2: memref<512x64xf32, #tpu.memory_space<vmem>>, %arg3: memref<136x256xf32, #tpu.memory_space<vmem>>, %arg4: memref<1x256xf32, #tpu.memory_space<vmem>>, %arg5: memref<256x16xf32, #tpu.memory_space<vmem>>, %arg6: memref<1x16xf32, #tpu.memory_space<vmem>>, %arg7: memref<136x256xf32, #tpu.memory_space<vmem>>, %arg8: memref<1x256xf32, #tpu.memory_space<vmem>>, %arg9: memref<256x256xf32, #tpu.memory_space<vmem>>, %arg10: memref<1x256xf32, #tpu.memory_space<vmem>>, %arg11: memref<256x8xf32, #tpu.memory_space<vmem>>, %arg12: memref<1x8xf32, #tpu.memory_space<vmem>>, %arg13: memref<1x16xf32, #tpu.memory_space<vmem>>, %arg14: memref<1x16xf32, #tpu.memory_space<vmem>>, %arg15: memref<512x128xf32, #tpu.memory_space<vmem>>, %arg16: memref<512x8xf32, #tpu.memory_space<vmem>>, %arg17: memref<512x8xf32, #tpu.memory_space<vmem>>, %arg18: memref<512x8xf32, #tpu.memory_space<vmem>>, %arg19: memref<1x8xf32, #tpu.memory_space<vmem>>, %arg20: memref<1x8xf32, #tpu.memory_space<vmem>>) attributes {dimension_semantics = [#tpu.dimension_semantics<arbitrary>], iteration_bounds = array<i64: 8>, scalar_prefetch = 0 : i64, scratch_operands = 1 : i64, tpu.core_type = #tpu.core_type<tc>, window_params = [{transform_indices = @transform_0, window_bounds = array<i64: 512, 72>}, {transform_indices = @transform_1, window_bounds = array<i64: 512, 64>}, {pipeline_mode = #tpu.pipeline_mode<synchronous>, transform_indices = @transform_2, window_bounds = array<i64: 136, 256>}, {pipeline_mode = #tpu.pipeline_mode<synchronous>, transform_indices = @transform_3, window_bounds = array<i64: 1, 256>}, {pipeline_mode = #tpu.pipeline_mode<synchronous>, transform_indices = @transform_4, window_bounds = array<i64: 256, 16>}, {pipeline_mode = #tpu.pipeline_mode<synchronous>, transform_indices = @transform_5, window_bounds = array<i64: 1, 16>}, {pipeline_mode = #tpu.pipeline_mode<synchronous>, transform_indices = @transform_6, window_bounds = array<i64: 136, 256>}, {pipeline_mode = #tpu.pipeline_mode<synchronous>, transform_indices = @transform_7, window_bounds = array<i64: 1, 256>}, {pipeline_mode = #tpu.pipeline_mode<synchronous>, transform_indices = @transform_8, window_bounds = array<i64: 256, 256>}, {pipeline_mode = #tpu.pipeline_mode<synchronous>, transform_indices = @transform_9, window_bounds = array<i64: 1, 256>}, {pipeline_mode = #tpu.pipeline_mode<synchronous>, transform_indices = @transform_10, window_bounds = array<i64: 256, 8>}, {pipeline_mode = #tpu.pipeline_mode<synchronous>, transform_indices = @transform_11, window_bounds = array<i64: 1, 8>}, {pipeline_mode = #tpu.pipeline_mode<synchronous>, transform_indices = @transform_12, window_bounds = array<i64: 1, 16>}, {pipeline_mode = #tpu.pipeline_mode<synchronous>, transform_indices = @transform_13, window_bounds = array<i64: 1, 16>}, {transform_indices = @transform_14, window_bounds = array<i64: 512, 128>}, {transform_indices = @transform_15, window_bounds = array<i64: 512, 8>}, {transform_indices = @transform_16, window_bounds = array<i64: 512, 8>}, {transform_indices = @transform_17, window_bounds = array<i64: 512, 8>}, {pipeline_mode = #tpu.pipeline_mode<synchronous>, transform_indices = @transform_18, window_bounds = array<i64: 1, 8>}]} {
    %eq3A = arith.constant 0 : i32
    %eq3A_0 = arith.cmpi eq, %arg0, %eq3A : i32
    %convert_element_type3A = arith.extui %eq3A_0 : i1 to i32
    %cond3A = arith.constant 0 : i32
    %cond3A_1 = arith.cmpi ne, %convert_element_type3A, %cond3A : i32
    scf.if %cond3A_1 {
      %broadcast_in_dim3A_188 = arith.constant 0.000000e+00 : f32
      %broadcast_in_dim3A_189 = vector.broadcast %broadcast_in_dim3A_188 : f32 to vector<1x8xf32>
      %swap3A_190 = arith.constant 0 : index
      %swap3A_191 = arith.constant 0 : index
      %swap3A_192 = vector.load %arg20[%swap3A_190, %swap3A_191] : memref<1x8xf32, #tpu.memory_space<vmem>>, vector<1x8xf32>
      tpu.vector_store %arg20[%swap3A_190, %swap3A_191], %broadcast_in_dim3A_189 {strides = array<i32>} : memref<1x8xf32, #tpu.memory_space<vmem>>, vector<1x8xf32>,
    } else {
    }
    %get3A = arith.constant 0 : index
    %get3A_2 = arith.constant 0 : index
    %get3A_3 = vector.load %arg1[%get3A, %get3A_2] : memref<512x72xf32, #tpu.memory_space<vmem>>, vector<512x72xf32>
    %get3A_4 = arith.constant 0 : index
    %get3A_5 = arith.constant 0 : index
    %get3A_6 = vector.load %arg2[%get3A_4, %get3A_5] : memref<512x64xf32, #tpu.memory_space<vmem>>, vector<512x64xf32>
    %concatenate3A = tpu.concatenate %get3A_3, %get3A_6 in 1 : vector<512x72xf32>, vector<512x64xf32> -> vector<512x136xf32>
    %get3A_7 = arith.constant 0 : index
    %get3A_8 = arith.constant 0 : index
    %get3A_9 = vector.load %arg3[%get3A_7, %get3A_8] : memref<136x256xf32, #tpu.memory_space<vmem>>, vector<136x256xf32>
    %dot_general3A = arith.constant dense<0.000000e+00> : vector<512x256xf32>
    %dot_general3A_10 = tpu.matmul %concatenate3A, %get3A_9, %dot_general3A {dimension_numbers = #tpu.dot_dimension_numbers<[1], [0], [0], [1], [0, 0, 1, 1], [], []>, transpose_lhs_hint = false} : vector<512x136xf32>, vector<136x256xf32>, vector<512x256xf32> -> vector<512x256xf32>
    %get3A_11 = arith.constant 0 : index
    %get3A_12 = arith.constant 0 : index
    %get3A_13 = vector.load %arg4[%get3A_11, %get3A_12] : memref<1x256xf32, #tpu.memory_space<vmem>>, vector<1x256xf32>
    %add3A = vector.broadcast %get3A_13 : vector<1x256xf32> to vector<512x256xf32>
    %add3A_14 = arith.addf %dot_general3A_10, %add3A : vector<512x256xf32>
    %gt3A = arith.constant 0.000000e+00 : f32
    %gt3A_15 = vector.broadcast %gt3A : f32 to vector<512x256xf32>
    %gt3A_16 = arith.cmpf ogt, %add3A_14, %gt3A_15 : vector<512x256xf32>
    %min3A = arith.constant 0.000000e+00 : f32
    %min3A_17 = vector.broadcast %min3A : f32 to vector<512x256xf32>
    %min3A_18 = arith.minimumf %add3A_14, %min3A_17 : vector<512x256xf32>
    %exp3A = math.exp %min3A_18 : vector<512x256xf32>
    %sub3A = arith.constant 1.000000e+00 : f32
    %sub3A_19 = vector.broadcast %sub3A : f32 to vector<512x256xf32>
    %sub3A_20 = arith.subf %exp3A, %sub3A_19 : vector<512x256xf32>
    %select_n3A = arith.select %gt3A_16, %add3A_14, %sub3A_20 : vector<512x256xi1>, vector<512x256xf32>
    %get3A_21 = arith.constant 0 : index
    %get3A_22 = arith.constant 0 : index
    %get3A_23 = vector.load %arg5[%get3A_21, %get3A_22] : memref<256x16xf32, #tpu.memory_space<vmem>>, vector<256x16xf32>
    %dot_general3A_24 = arith.constant dense<0.000000e+00> : vector<512x16xf32>
    %dot_general3A_25 = tpu.matmul %select_n3A, %get3A_23, %dot_general3A_24 {dimension_numbers = #tpu.dot_dimension_numbers<[1], [0], [0], [1], [0, 0, 1, 1], [], []>, transpose_lhs_hint = false} : vector<512x256xf32>, vector<256x16xf32>, vector<512x16xf32> -> vector<512x16xf32>
    %get3A_26 = arith.constant 0 : index
    %get3A_27 = arith.constant 0 : index
    %get3A_28 = vector.load %arg6[%get3A_26, %get3A_27] : memref<1x16xf32, #tpu.memory_space<vmem>>, vector<1x16xf32>
    %add3A_29 = vector.broadcast %get3A_28 : vector<1x16xf32> to vector<512x16xf32>
    %add3A_30 = arith.addf %dot_general3A_25, %add3A_29 : vector<512x16xf32>
    %logistic3A = arith.negf %add3A_30 : vector<512x16xf32>
    %logistic3A_31 = math.exp %logistic3A : vector<512x16xf32>
    %logistic3A_32 = arith.constant 1.000000e+00 : f32
    %logistic3A_33 = vector.broadcast %logistic3A_32 : f32 to vector<512x16xf32>
    %logistic3A_34 = arith.addf %logistic3A_33, %logistic3A_31 : vector<512x16xf32>
    %logistic3A_35 = arith.divf %logistic3A_33, %logistic3A_34 : vector<512x16xf32>
    %get3A_36 = arith.constant 0 : index
    %get3A_37 = arith.constant 0 : index
    %get3A_38 = vector.load %arg13[%get3A_36, %get3A_37] : memref<1x16xf32, #tpu.memory_space<vmem>>, vector<1x16xf32>
    %get3A_39 = arith.constant 0 : index
    %get3A_40 = arith.constant 0 : index
    %get3A_41 = vector.load %arg14[%get3A_39, %get3A_40] : memref<1x16xf32, #tpu.memory_space<vmem>>, vector<1x16xf32>
    %sub3A_42 = arith.subf %get3A_41, %get3A_38 : vector<1x16xf32>
    %mul3A = vector.broadcast %sub3A_42 : vector<1x16xf32> to vector<512x16xf32>
    %mul3A_43 = arith.mulf %mul3A, %logistic3A_35 : vector<512x16xf32>
    %add3A_44 = vector.broadcast %get3A_38 : vector<1x16xf32> to vector<512x16xf32>
    %add3A_45 = arith.addf %add3A_44, %mul3A_43 : vector<512x16xf32>
    %slice3A = vector.extract_strided_slice %get3A_3 {offsets = [0, 16], sizes = [512, 56], strides = [1, 1]} : vector<512x72xf32> to vector<512x56xf32>
    %concatenate3A_46 = tpu.concatenate %add3A_45, %slice3A, %get3A_6 in 1 : vector<512x16xf32>, vector<512x56xf32>, vector<512x64xf32> -> vector<512x136xf32>
    %get3A_47 = arith.constant 0 : index
    %get3A_48 = arith.constant 0 : index
    %get3A_49 = vector.load %arg7[%get3A_47, %get3A_48] : memref<136x256xf32, #tpu.memory_space<vmem>>, vector<136x256xf32>
    %dot_general3A_50 = arith.constant dense<0.000000e+00> : vector<512x256xf32>
    %dot_general3A_51 = tpu.matmul %concatenate3A_46, %get3A_49, %dot_general3A_50 {dimension_numbers = #tpu.dot_dimension_numbers<[1], [0], [0], [1], [0, 0, 1, 1], [], []>, transpose_lhs_hint = false} : vector<512x136xf32>, vector<136x256xf32>, vector<512x256xf32> -> vector<512x256xf32>
    %get3A_52 = arith.constant 0 : index
    %get3A_53 = arith.constant 0 : index
    %get3A_54 = vector.load %arg8[%get3A_52, %get3A_53] : memref<1x256xf32, #tpu.memory_space<vmem>>, vector<1x256xf32>
    %add3A_55 = vector.broadcast %get3A_54 : vector<1x256xf32> to vector<512x256xf32>
    %add3A_56 = arith.addf %dot_general3A_51, %add3A_55 : vector<512x256xf32>
    %gt3A_57 = arith.constant 0.000000e+00 : f32
    %gt3A_58 = vector.broadcast %gt3A_57 : f32 to vector<512x256xf32>
    %gt3A_59 = arith.cmpf ogt, %add3A_56, %gt3A_58 : vector<512x256xf32>
    %min3A_60 = arith.constant 0.000000e+00 : f32
    %min3A_61 = vector.broadcast %min3A_60 : f32 to vector<512x256xf32>
    %min3A_62 = arith.minimumf %add3A_56, %min3A_61 : vector<512x256xf32>
    %exp3A_63 = math.exp %min3A_62 : vector<512x256xf32>
    %sub3A_64 = arith.constant 1.000000e+00 : f32
    %sub3A_65 = vector.broadcast %sub3A_64 : f32 to vector<512x256xf32>
    %sub3A_66 = arith.subf %exp3A_63, %sub3A_65 : vector<512x256xf32>
    %select_n3A_67 = arith.select %gt3A_59, %add3A_56, %sub3A_66 : vector<512x256xi1>, vector<512x256xf32>
    %get3A_68 = arith.constant 0 : index
    %get3A_69 = arith.constant 0 : index
    %get3A_70 = vector.load %arg9[%get3A_68, %get3A_69] : memref<256x256xf32, #tpu.memory_space<vmem>>, vector<256x256xf32>
    %dot_general3A_71 = arith.constant dense<0.000000e+00> : vector<512x256xf32>
    %dot_general3A_72 = tpu.matmul %select_n3A_67, %get3A_70, %dot_general3A_71 {dimension_numbers = #tpu.dot_dimension_numbers<[1], [0], [0], [1], [0, 0, 1, 1], [], []>, transpose_lhs_hint = false} : vector<512x256xf32>, vector<256x256xf32>, vector<512x256xf32> -> vector<512x256xf32>
    %get3A_73 = arith.constant 0 : index
    %get3A_74 = arith.constant 0 : index
    %get3A_75 = vector.load %arg10[%get3A_73, %get3A_74] : memref<1x256xf32, #tpu.memory_space<vmem>>, vector<1x256xf32>
    %add3A_76 = vector.broadcast %get3A_75 : vector<1x256xf32> to vector<512x256xf32>
    %add3A_77 = arith.addf %dot_general3A_72, %add3A_76 : vector<512x256xf32>
    %gt3A_78 = arith.constant 0.000000e+00 : f32
    %gt3A_79 = vector.broadcast %gt3A_78 : f32 to vector<512x256xf32>
    %gt3A_80 = arith.cmpf ogt, %add3A_77, %gt3A_79 : vector<512x256xf32>
    %min3A_81 = arith.constant 0.000000e+00 : f32
    %min3A_82 = vector.broadcast %min3A_81 : f32 to vector<512x256xf32>
    %min3A_83 = arith.minimumf %add3A_77, %min3A_82 : vector<512x256xf32>
    %exp3A_84 = math.exp %min3A_83 : vector<512x256xf32>
    %sub3A_85 = arith.constant 1.000000e+00 : f32
    %sub3A_86 = vector.broadcast %sub3A_85 : f32 to vector<512x256xf32>
    %sub3A_87 = arith.subf %exp3A_84, %sub3A_86 : vector<512x256xf32>
    %select_n3A_88 = arith.select %gt3A_80, %add3A_77, %sub3A_87 : vector<512x256xi1>, vector<512x256xf32>
    %get3A_89 = arith.constant 0 : index
    %get3A_90 = arith.constant 0 : index
    %get3A_91 = vector.load %arg11[%get3A_89, %get3A_90] : memref<256x8xf32, #tpu.memory_space<vmem>>, vector<256x8xf32>
    %dot_general3A_92 = arith.constant dense<0.000000e+00> : vector<512x8xf32>
    %dot_general3A_93 = tpu.matmul %select_n3A_88, %get3A_91, %dot_general3A_92 {dimension_numbers = #tpu.dot_dimension_numbers<[1], [0], [0], [1], [0, 0, 1, 1], [], []>, transpose_lhs_hint = false} : vector<512x256xf32>, vector<256x8xf32>, vector<512x8xf32> -> vector<512x8xf32>
    %get3A_94 = arith.constant 0 : index
    %get3A_95 = arith.constant 0 : index
    %get3A_96 = vector.load %arg12[%get3A_94, %get3A_95] : memref<1x8xf32, #tpu.memory_space<vmem>>, vector<1x8xf32>
    %add3A_97 = vector.broadcast %get3A_96 : vector<1x8xf32> to vector<512x8xf32>
    %add3A_98 = arith.addf %dot_general3A_93, %add3A_97 : vector<512x8xf32>
    %reduce_max3A = arith.constant dense<0xFF800000> : vector<512xf32>
    %reduce_max3A_99 = vector.multi_reduction <maximumf>, %add3A_98, %reduce_max3A [1] : vector<512x8xf32> to vector<512xf32>
    %broadcast_in_dim3A = vector.shape_cast %reduce_max3A_99 : vector<512xf32> to vector<512x1xf32>
    %sub3A_100 = vector.broadcast %broadcast_in_dim3A : vector<512x1xf32> to vector<512x8xf32>
    %sub3A_101 = arith.subf %add3A_98, %sub3A_100 : vector<512x8xf32>
    %exp3A_102 = math.exp %sub3A_101 : vector<512x8xf32>
    %reduce_sum3A = arith.constant dense<0.000000e+00> : vector<512xf32>
    %reduce_sum3A_103 = vector.multi_reduction <add>, %exp3A_102, %reduce_sum3A [1] : vector<512x8xf32> to vector<512xf32>
    %broadcast_in_dim3A_104 = vector.shape_cast %reduce_sum3A_103 : vector<512xf32> to vector<512x1xf32>
    %div3A = vector.broadcast %broadcast_in_dim3A_104 : vector<512x1xf32> to vector<512x8xf32>
    %div3A_105 = arith.divf %exp3A_102, %div3A : vector<512x8xf32>
    %iota3A = tpu.iota {dimensions = array<i32: 1>} : vector<512x8xi32>
    %reduce_max3A_106 = arith.constant dense<0xFF800000> : vector<512xf32>
    %reduce_max3A_107 = vector.multi_reduction <maximumf>, %div3A_105, %reduce_max3A_106 [1] : vector<512x8xf32> to vector<512xf32>
    %broadcast_in_dim3A_108 = vector.shape_cast %reduce_max3A_107 : vector<512xf32> to vector<512x1xf32>
    %eq3A_109 = vector.broadcast %broadcast_in_dim3A_108 : vector<512x1xf32> to vector<512x8xf32>
    %eq3A_110 = arith.cmpf oeq, %div3A_105, %eq3A_109 : vector<512x8xf32>
    %jit3A = arith.constant 8 : i32
    %broadcast_in_dim3A_111 = vector.broadcast %jit3A : i32 to vector<512x8xi32>
    %select_n3A_112 = arith.select %eq3A_110, %iota3A, %broadcast_in_dim3A_111 : vector<512x8xi1>, vector<512x8xi32>
    %reduce_min3A = arith.constant dense<2147483647> : vector<512xi32>
    %reduce_min3A_113 = vector.multi_reduction <minsi>, %select_n3A_112, %reduce_min3A [1] : vector<512x8xi32> to vector<512xi32>
    %broadcast_in_dim3A_114 = vector.shape_cast %reduce_min3A_113 : vector<512xi32> to vector<512x1xi32>
    %eq3A_115 = vector.broadcast %broadcast_in_dim3A_114 : vector<512x1xi32> to vector<512x8xi32>
    %eq3A_116 = arith.cmpi eq, %iota3A, %eq3A_115 : vector<512x8xi32>
    %jit3A_117 = arith.constant -1.000000e+00 : f32
    %broadcast_in_dim3A_118 = vector.broadcast %jit3A_117 : f32 to vector<512x8xf32>
    %select_n3A_119 = arith.select %eq3A_116, %broadcast_in_dim3A_118, %div3A_105 : vector<512x8xi1>, vector<512x8xf32>
    %reduce_max3A_120 = arith.constant dense<0xFF800000> : vector<512xf32>
    %reduce_max3A_121 = vector.multi_reduction <maximumf>, %select_n3A_119, %reduce_max3A_120 [1] : vector<512x8xf32> to vector<512xf32>
    %broadcast_in_dim3A_122 = vector.shape_cast %reduce_max3A_121 : vector<512xf32> to vector<512x1xf32>
    %eq3A_123 = vector.broadcast %broadcast_in_dim3A_122 : vector<512x1xf32> to vector<512x8xf32>
    %eq3A_124 = arith.cmpf oeq, %select_n3A_119, %eq3A_123 : vector<512x8xf32>
    %jit3A_125 = arith.constant 8 : i32
    %broadcast_in_dim3A_126 = vector.broadcast %jit3A_125 : i32 to vector<512x8xi32>
    %select_n3A_127 = arith.select %eq3A_124, %iota3A, %broadcast_in_dim3A_126 : vector<512x8xi1>, vector<512x8xi32>
    %reduce_min3A_128 = arith.constant dense<2147483647> : vector<512xi32>
    %reduce_min3A_129 = vector.multi_reduction <minsi>, %select_n3A_127, %reduce_min3A_128 [1] : vector<512x8xi32> to vector<512xi32>
    %broadcast_in_dim3A_130 = vector.shape_cast %reduce_min3A_129 : vector<512xi32> to vector<512x1xi32>
    %eq3A_131 = vector.broadcast %broadcast_in_dim3A_114 : vector<512x1xi32> to vector<512x8xi32>
    %eq3A_132 = arith.cmpi eq, %iota3A, %eq3A_131 : vector<512x8xi32>
    %eq3A_133 = vector.broadcast %broadcast_in_dim3A_130 : vector<512x1xi32> to vector<512x8xi32>
    %eq3A_134 = arith.cmpi eq, %iota3A, %eq3A_133 : vector<512x8xi32>
    %or3A = arith.ori %eq3A_132, %eq3A_134 : vector<512x8xi1>
    %convert_element_type3A_135 = arith.extui %or3A : vector<512x8xi1> to vector<512x8xi32>
    %convert_element_type3A_136 = arith.sitofp %convert_element_type3A_135 : vector<512x8xi32> to vector<512x8xf32>
    %jit3A_137 = arith.constant 0.000000e+00 : f32
    %broadcast_in_dim3A_138 = vector.broadcast %jit3A_137 : f32 to vector<512x8xf32>
    %select_n3A_139 = arith.select %or3A, %div3A_105, %broadcast_in_dim3A_138 : vector<512x8xi1>, vector<512x8xf32>
    %reduce_sum3A_140 = arith.constant dense<0.000000e+00> : vector<512xf32>
    %reduce_sum3A_141 = vector.multi_reduction <add>, %select_n3A_139, %reduce_sum3A_140 [1] : vector<512x8xf32> to vector<512xf32>
    %broadcast_in_dim3A_142 = vector.shape_cast %reduce_sum3A_141 : vector<512xf32> to vector<512x1xf32>
    %div3A_143 = vector.broadcast %broadcast_in_dim3A_142 : vector<512x1xf32> to vector<512x8xf32>
    %div3A_144 = arith.divf %select_n3A_139, %div3A_143 : vector<512x8xf32>
    %iota3A_145 = tpu.iota {dimensions = array<i32: 0>} : vector<512x512xi32>
    %iota3A_146 = tpu.iota {dimensions = array<i32: 1>} : vector<512x512xi32>
    %gt3A_147 = arith.cmpi sgt, %iota3A_145, %iota3A_146 : vector<512x512xi32>
    %convert_element_type3A_148 = arith.extui %gt3A_147 : vector<512x512xi1> to vector<512x512xi32>
    %convert_element_type3A_149 = arith.sitofp %convert_element_type3A_148 : vector<512x512xi32> to vector<512x512xf32>
    %dot_general3A_150 = arith.constant dense<0.000000e+00> : vector<512x8xf32>
    %dot_general3A_151 = tpu.matmul %convert_element_type3A_149, %convert_element_type3A_136, %dot_general3A_150 {dimension_numbers = #tpu.dot_dimension_numbers<[1], [0], [0], [1], [0, 0, 1, 1], [], []>, transpose_lhs_hint = false} : vector<512x512xf32>, vector<512x8xf32>, vector<512x8xf32> -> vector<512x8xf32>
    %get3A_152 = arith.constant 0 : index
    %get3A_153 = arith.constant 0 : index
    %get3A_154 = vector.load %arg20[%get3A_152, %get3A_153] : memref<1x8xf32, #tpu.memory_space<vmem>>, vector<1x8xf32>
    %add3A_155 = vector.broadcast %get3A_154 : vector<1x8xf32> to vector<512x8xf32>
    %add3A_156 = arith.addf %add3A_155, %dot_general3A_151 : vector<512x8xf32>
    %swap3A = arith.constant 0 : index
    %swap3A_157 = arith.constant 0 : index
    %swap3A_158 = vector.load %arg18[%swap3A, %swap3A_157] : memref<512x8xf32, #tpu.memory_space<vmem>>, vector<512x8xf32>
    tpu.vector_store %arg18[%swap3A, %swap3A_157], %add3A_156 {strides = array<i32>} : memref<512x8xf32, #tpu.memory_space<vmem>>, vector<512x8xf32>,
    %get3A_159 = arith.constant 0 : index
    %get3A_160 = arith.constant 0 : index
    %get3A_161 = vector.load %arg20[%get3A_159, %get3A_160] : memref<1x8xf32, #tpu.memory_space<vmem>>, vector<1x8xf32>
    %reduce_sum3A_162 = arith.constant dense<0.000000e+00> : vector<8xf32>
    %reduce_sum3A_163 = vector.multi_reduction <add>, %convert_element_type3A_136, %reduce_sum3A_162 [0] : vector<512x8xf32> to vector<8xf32>
    %broadcast_in_dim3A_164 = vector.shape_cast %reduce_sum3A_163 : vector<8xf32> to vector<1x8xf32>
    %add3A_165 = arith.addf %get3A_161, %broadcast_in_dim3A_164 : vector<1x8xf32>
    %swap3A_166 = arith.constant 0 : index
    %swap3A_167 = arith.constant 0 : index
    %swap3A_168 = vector.load %arg20[%swap3A_166, %swap3A_167] : memref<1x8xf32, #tpu.memory_space<vmem>>, vector<1x8xf32>
    tpu.vector_store %arg20[%swap3A_166, %swap3A_167], %add3A_165 {strides = array<i32>} : memref<1x8xf32, #tpu.memory_space<vmem>>, vector<1x8xf32>,
    %get3A_169 = arith.constant 0 : index
    %get3A_170 = arith.constant 0 : index
    %get3A_171 = vector.load %arg20[%get3A_169, %get3A_170] : memref<1x8xf32, #tpu.memory_space<vmem>>, vector<1x8xf32>
    %swap3A_172 = arith.constant 0 : index
    %swap3A_173 = arith.constant 0 : index
    %swap3A_174 = vector.load %arg19[%swap3A_172, %swap3A_173] : memref<1x8xf32, #tpu.memory_space<vmem>>, vector<1x8xf32>
    tpu.vector_store %arg19[%swap3A_172, %swap3A_173], %get3A_171 {strides = array<i32>} : memref<1x8xf32, #tpu.memory_space<vmem>>, vector<1x8xf32>,
    %slice3A_175 = vector.extract_strided_slice %concatenate3A_46 {offsets = [0, 0], sizes = [512, 72], strides = [1, 1]} : vector<512x136xf32> to vector<512x72xf32>
    %broadcast_in_dim3A_176 = arith.constant 0.000000e+00 : f32
    %broadcast_in_dim3A_177 = vector.broadcast %broadcast_in_dim3A_176 : f32 to vector<512x56xf32>
    %concatenate3A_178 = tpu.concatenate %slice3A_175, %broadcast_in_dim3A_177 in 1 : vector<512x72xf32>, vector<512x56xf32> -> vector<512x128xf32>
    %swap3A_179 = arith.constant 0 : index
    %swap3A_180 = arith.constant 0 : index
    %swap3A_181 = vector.load %arg15[%swap3A_179, %swap3A_180] : memref<512x128xf32, #tpu.memory_space<vmem>>, vector<512x128xf32>
    tpu.vector_store %arg15[%swap3A_179, %swap3A_180], %concatenate3A_178 {strides = array<i32>} : memref<512x128xf32, #tpu.memory_space<vmem>>, vector<512x128xf32>,
    %swap3A_182 = arith.constant 0 : index
    %swap3A_183 = arith.constant 0 : index
    %swap3A_184 = vector.load %arg16[%swap3A_182, %swap3A_183] : memref<512x8xf32, #tpu.memory_space<vmem>>, vector<512x8xf32>
    tpu.vector_store %arg16[%swap3A_182, %swap3A_183], %div3A_144 {strides = array<i32>} : memref<512x8xf32, #tpu.memory_space<vmem>>, vector<512x8xf32>,
    %swap3A_185 = arith.constant 0 : index
    %swap3A_186 = arith.constant 0 : index
    %swap3A_187 = vector.load %arg17[%swap3A_185, %swap3A_186] : memref<512x8xf32, #tpu.memory_space<vmem>>, vector<512x8xf32>
    tpu.vector_store %arg17[%swap3A_185, %swap3A_186], %convert_element_type3A_136 {strides = array<i32>} : memref<512x8xf32, #tpu.memory_space<vmem>>, vector<512x8xf32>,
    return
  }
  func.func @transform_0(%arg0: i32) -> (i32, i32) {
    %c0_i32 = arith.constant 0 : i32
    %c0_i32_0 = arith.constant 0 : i32
    return %arg0, %c0_i32 : i32, i32
  }
  func.func @transform_1(%arg0: i32) -> (i32, i32) {
    %c0_i32 = arith.constant 0 : i32
    %c0_i32_0 = arith.constant 0 : i32
    return %arg0, %c0_i32 : i32, i32
  }
  func.func @transform_2(%arg0: i32) -> (i32, i32) {
    %c0_i32 = arith.constant 0 : i32
    %c0_i32_0 = arith.constant 0 : i32
    %c0_i32_1 = arith.constant 0 : i32
    return %c0_i32, %c0_i32_0 : i32, i32
  }
  func.func @transform_3(%arg0: i32) -> (i32, i32) {
    %c0_i32 = arith.constant 0 : i32
    %c0_i32_0 = arith.constant 0 : i32
    %c0_i32_1 = arith.constant 0 : i32
    return %c0_i32, %c0_i32_0 : i32, i32
  }
  func.func @transform_4(%arg0: i32) -> (i32, i32) {
    %c0_i32 = arith.constant 0 : i32
    %c0_i32_0 = arith.constant 0 : i32
    %c0_i32_1 = arith.constant 0 : i32
    return %c0_i32, %c0_i32_0 : i32, i32
  }
  func.func @transform_5(%arg0: i32) -> (i32, i32) {
    %c0_i32 = arith.constant 0 : i32
    %c0_i32_0 = arith.constant 0 : i32
    %c0_i32_1 = arith.constant 0 : i32
    return %c0_i32, %c0_i32_0 : i32, i32
  }
  func.func @transform_6(%arg0: i32) -> (i32, i32) {
    %c0_i32 = arith.constant 0 : i32
    %c0_i32_0 = arith.constant 0 : i32
    %c0_i32_1 = arith.constant 0 : i32
    return %c0_i32, %c0_i32_0 : i32, i32
  }
  func.func @transform_7(%arg0: i32) -> (i32, i32) {
    %c0_i32 = arith.constant 0 : i32
    %c0_i32_0 = arith.constant 0 : i32
    %c0_i32_1 = arith.constant 0 : i32
    return %c0_i32, %c0_i32_0 : i32, i32
  }
  func.func @transform_8(%arg0: i32) -> (i32, i32) {
    %c0_i32 = arith.constant 0 : i32
    %c0_i32_0 = arith.constant 0 : i32
    %c0_i32_1 = arith.constant 0 : i32
    return %c0_i32, %c0_i32_0 : i32, i32
  }
  func.func @transform_9(%arg0: i32) -> (i32, i32) {
    %c0_i32 = arith.constant 0 : i32
    %c0_i32_0 = arith.constant 0 : i32
    %c0_i32_1 = arith.constant 0 : i32
    return %c0_i32, %c0_i32_0 : i32, i32
  }
  func.func @transform_10(%arg0: i32) -> (i32, i32) {
    %c0_i32 = arith.constant 0 : i32
    %c0_i32_0 = arith.constant 0 : i32
    %c0_i32_1 = arith.constant 0 : i32
    return %c0_i32, %c0_i32_0 : i32, i32
  }
  func.func @transform_11(%arg0: i32) -> (i32, i32) {
    %c0_i32 = arith.constant 0 : i32
    %c0_i32_0 = arith.constant 0 : i32
    %c0_i32_1 = arith.constant 0 : i32
    return %c0_i32, %c0_i32_0 : i32, i32
  }
  func.func @transform_12(%arg0: i32) -> (i32, i32) {
    %c0_i32 = arith.constant 0 : i32
    %c0_i32_0 = arith.constant 0 : i32
    %c0_i32_1 = arith.constant 0 : i32
    return %c0_i32, %c0_i32_0 : i32, i32
  }
  func.func @transform_13(%arg0: i32) -> (i32, i32) {
    %c0_i32 = arith.constant 0 : i32
    %c0_i32_0 = arith.constant 0 : i32
    %c0_i32_1 = arith.constant 0 : i32
    return %c0_i32, %c0_i32_0 : i32, i32
  }
  func.func @transform_14(%arg0: i32) -> (i32, i32) {
    %c0_i32 = arith.constant 0 : i32
    %c0_i32_0 = arith.constant 0 : i32
    return %arg0, %c0_i32 : i32, i32
  }
  func.func @transform_15(%arg0: i32) -> (i32, i32) {
    %c0_i32 = arith.constant 0 : i32
    %c0_i32_0 = arith.constant 0 : i32
    return %arg0, %c0_i32 : i32, i32
  }
  func.func @transform_16(%arg0: i32) -> (i32, i32) {
    %c0_i32 = arith.constant 0 : i32
    %c0_i32_0 = arith.constant 0 : i32
    return %arg0, %c0_i32 : i32, i32
  }
  func.func @transform_17(%arg0: i32) -> (i32, i32) {
    %c0_i32 = arith.constant 0 : i32
    %c0_i32_0 = arith.constant 0 : i32
    return %arg0, %c0_i32 : i32, i32
  }
  func.func @transform_18(%arg0: i32) -> (i32, i32) {
    %c0_i32 = arith.constant 0 : i32
    %c0_i32_0 = arith.constant 0 : i32
    %c0_i32_1 = arith.constant 0 : i32
    return %c0_i32, %c0_i32_0 : i32, i32
  }
}

module attributes {stable_mosaic.version = 14 : i64} {
  func.func @_expert_body(%arg0: i32, %arg1: memref<40xi32, #tpu.memory_space<smem>>, %arg2: memref<256x128xf32, #tpu.memory_space<vmem>>, %arg3: memref<1x128x512xf32, #tpu.memory_space<vmem>>, %arg4: memref<1x1x512xf32, #tpu.memory_space<vmem>>, %arg5: memref<1x512x512xbf16, #tpu.memory_space<vmem>>, %arg6: memref<1x1x512xf32, #tpu.memory_space<vmem>>, %arg7: memref<1x512x29xf32, #tpu.memory_space<vmem>>, %arg8: memref<1x1x29xf32, #tpu.memory_space<vmem>>, %arg9: memref<256x128xf32, #tpu.memory_space<vmem>>) attributes {dimension_semantics = [#tpu.dimension_semantics<arbitrary>], iteration_bounds = array<i64: 40>, scalar_prefetch = 1 : i64, scratch_operands = 0 : i64, tpu.core_type = #tpu.core_type<tc>, window_params = [{transform_indices = @transform_0, window_bounds = array<i64: 256, 128>}, {transform_indices = @transform_1, window_bounds = array<i64: 1, 128, 512>}, {transform_indices = @transform_2, window_bounds = array<i64: 1, 1, 512>}, {transform_indices = @transform_3, window_bounds = array<i64: 1, 512, 512>}, {transform_indices = @transform_4, window_bounds = array<i64: 1, 1, 512>}, {transform_indices = @transform_5, window_bounds = array<i64: 1, 512, 29>}, {transform_indices = @transform_6, window_bounds = array<i64: 1, 1, 29>}, {transform_indices = @transform_7, window_bounds = array<i64: 256, 128>}]} {
    %get3A = arith.constant 0 : index
    %get3A_0 = arith.constant 0 : index
    %get3A_1 = vector.load %arg2[%get3A, %get3A_0] : memref<256x128xf32, #tpu.memory_space<vmem>>, vector<256x128xf32>
    %get3A_2 = arith.constant 0 : index
    %get3A_3 = arith.constant 0 : index
    %get3A_4 = arith.constant 0 : index
    %get3A_5 = vector.load %arg3[%get3A_2, %get3A_3, %get3A_4] : memref<1x128x512xf32, #tpu.memory_space<vmem>>, vector<1x128x512xf32>
    %get3A_6 = vector.shape_cast %get3A_5 : vector<1x128x512xf32> to vector<128x512xf32>
    %dot_general3A = arith.constant dense<0.000000e+00> : vector<256x512xf32>
    %dot_general3A_7 = tpu.matmul %get3A_1, %get3A_6, %dot_general3A {dimension_numbers = #tpu.dot_dimension_numbers<[1], [0], [0], [1], [0, 0, 1, 1], [], []>, transpose_lhs_hint = false} : vector<256x128xf32>, vector<128x512xf32>, vector<256x512xf32> -> vector<256x512xf32>
    %get3A_8 = arith.constant 0 : index
    %get3A_9 = arith.constant 0 : index
    %get3A_10 = arith.constant 0 : index
    %get3A_11 = vector.load %arg4[%get3A_8, %get3A_9, %get3A_10] : memref<1x1x512xf32, #tpu.memory_space<vmem>>, vector<1x1x512xf32>
    %get3A_12 = vector.shape_cast %get3A_11 : vector<1x1x512xf32> to vector<1x512xf32>
    %add3A = vector.broadcast %get3A_12 : vector<1x512xf32> to vector<256x512xf32>
    %add3A_13 = arith.addf %dot_general3A_7, %add3A : vector<256x512xf32>
    %gt3A = arith.constant 0.000000e+00 : f32
    %gt3A_14 = vector.broadcast %gt3A : f32 to vector<256x512xf32>
    %gt3A_15 = arith.cmpf ogt, %add3A_13, %gt3A_14 : vector<256x512xf32>
    %min3A = arith.constant 0.000000e+00 : f32
    %min3A_16 = vector.broadcast %min3A : f32 to vector<256x512xf32>
    %min3A_17 = arith.minimumf %add3A_13, %min3A_16 : vector<256x512xf32>
    %exp3A = math.exp %min3A_17 : vector<256x512xf32>
    %sub3A = arith.constant 1.000000e+00 : f32
    %sub3A_18 = vector.broadcast %sub3A : f32 to vector<256x512xf32>
    %sub3A_19 = arith.subf %exp3A, %sub3A_18 : vector<256x512xf32>
    %select_n3A = arith.select %gt3A_15, %add3A_13, %sub3A_19 : vector<256x512xi1>, vector<256x512xf32>
    %convert_element_type3A = arith.truncf %select_n3A : vector<256x512xf32> to vector<256x512xbf16>
    %get3A_20 = arith.constant 0 : index
    %get3A_21 = arith.constant 0 : index
    %get3A_22 = arith.constant 0 : index
    %get3A_23 = vector.load %arg5[%get3A_20, %get3A_21, %get3A_22] : memref<1x512x512xbf16, #tpu.memory_space<vmem>>, vector<1x512x512xbf16>
    %get3A_24 = vector.shape_cast %get3A_23 : vector<1x512x512xbf16> to vector<512x512xbf16>
    %dot_general3A_25 = arith.constant dense<0.000000e+00> : vector<256x512xf32>
    %dot_general3A_26 = tpu.matmul %convert_element_type3A, %get3A_24, %dot_general3A_25 {dimension_numbers = #tpu.dot_dimension_numbers<[1], [0], [0], [1], [0, 0, 1, 1], [], []>, transpose_lhs_hint = false} : vector<256x512xbf16>, vector<512x512xbf16>, vector<256x512xf32> -> vector<256x512xf32>
    %get3A_27 = arith.constant 0 : index
    %get3A_28 = arith.constant 0 : index
    %get3A_29 = arith.constant 0 : index
    %get3A_30 = vector.load %arg6[%get3A_27, %get3A_28, %get3A_29] : memref<1x1x512xf32, #tpu.memory_space<vmem>>, vector<1x1x512xf32>
    %get3A_31 = vector.shape_cast %get3A_30 : vector<1x1x512xf32> to vector<1x512xf32>
    %add3A_32 = vector.broadcast %get3A_31 : vector<1x512xf32> to vector<256x512xf32>
    %add3A_33 = arith.addf %dot_general3A_26, %add3A_32 : vector<256x512xf32>
    %gt3A_34 = arith.constant 0.000000e+00 : f32
    %gt3A_35 = vector.broadcast %gt3A_34 : f32 to vector<256x512xf32>
    %gt3A_36 = arith.cmpf ogt, %add3A_33, %gt3A_35 : vector<256x512xf32>
    %min3A_37 = arith.constant 0.000000e+00 : f32
    %min3A_38 = vector.broadcast %min3A_37 : f32 to vector<256x512xf32>
    %min3A_39 = arith.minimumf %add3A_33, %min3A_38 : vector<256x512xf32>
    %exp3A_40 = math.exp %min3A_39 : vector<256x512xf32>
    %sub3A_41 = arith.constant 1.000000e+00 : f32
    %sub3A_42 = vector.broadcast %sub3A_41 : f32 to vector<256x512xf32>
    %sub3A_43 = arith.subf %exp3A_40, %sub3A_42 : vector<256x512xf32>
    %select_n3A_44 = arith.select %gt3A_36, %add3A_33, %sub3A_43 : vector<256x512xi1>, vector<256x512xf32>
    %get3A_45 = arith.constant 0 : index
    %get3A_46 = arith.constant 0 : index
    %get3A_47 = arith.constant 0 : index
    %get3A_48 = vector.load %arg7[%get3A_45, %get3A_46, %get3A_47] : memref<1x512x29xf32, #tpu.memory_space<vmem>>, vector<1x512x29xf32>
    %get3A_49 = vector.shape_cast %get3A_48 : vector<1x512x29xf32> to vector<512x29xf32>
    %dot_general3A_50 = arith.constant dense<0.000000e+00> : vector<256x29xf32>
    %dot_general3A_51 = tpu.matmul %select_n3A_44, %get3A_49, %dot_general3A_50 {dimension_numbers = #tpu.dot_dimension_numbers<[1], [0], [0], [1], [0, 0, 1, 1], [], []>, transpose_lhs_hint = false} : vector<256x512xf32>, vector<512x29xf32>, vector<256x29xf32> -> vector<256x29xf32>
    %get3A_52 = arith.constant 0 : index
    %get3A_53 = arith.constant 0 : index
    %get3A_54 = arith.constant 0 : index
    %get3A_55 = vector.load %arg8[%get3A_52, %get3A_53, %get3A_54] : memref<1x1x29xf32, #tpu.memory_space<vmem>>, vector<1x1x29xf32>
    %get3A_56 = vector.shape_cast %get3A_55 : vector<1x1x29xf32> to vector<1x29xf32>
    %add3A_57 = vector.broadcast %get3A_56 : vector<1x29xf32> to vector<256x29xf32>
    %add3A_58 = arith.addf %dot_general3A_51, %add3A_57 : vector<256x29xf32>
    %slice3A = vector.extract_strided_slice %get3A_1 {offsets = [0, 127], sizes = [256, 1], strides = [1, 1]} : vector<256x128xf32> to vector<256x1xf32>
    %mul3A = vector.broadcast %slice3A : vector<256x1xf32> to vector<256x29xf32>
    %mul3A_59 = arith.mulf %mul3A, %add3A_58 : vector<256x29xf32>
    %broadcast_in_dim3A = arith.constant 0.000000e+00 : f32
    %broadcast_in_dim3A_60 = vector.broadcast %broadcast_in_dim3A : f32 to vector<256x99xf32>
    %concatenate3A = tpu.concatenate %mul3A_59, %broadcast_in_dim3A_60 in 1 : vector<256x29xf32>, vector<256x99xf32> -> vector<256x128xf32>
    %swap3A = arith.constant 0 : index
    %swap3A_61 = arith.constant 0 : index
    %swap3A_62 = vector.load %arg9[%swap3A, %swap3A_61] : memref<256x128xf32, #tpu.memory_space<vmem>>, vector<256x128xf32>
    tpu.vector_store %arg9[%swap3A, %swap3A_61], %concatenate3A {strides = array<i32>} : memref<256x128xf32, #tpu.memory_space<vmem>>, vector<256x128xf32>,
    return
  }
  func.func @transform_0(%arg0: i32, %arg1: memref<40xi32, #tpu.memory_space<smem>>) -> (i32, i32) {
    %c0_i32 = arith.constant 0 : i32
    %c0_i32_0 = arith.constant 0 : i32
    return %arg0, %c0_i32 : i32, i32
  }
  func.func @transform_1(%arg0: i32, %arg1: memref<40xi32, #tpu.memory_space<smem>>) -> (i32, i32, i32) {
    %get3A = arith.index_cast %arg0 : i32 to index
    %get3A_0 = memref.load %arg1[%get3A] : memref<40xi32, #tpu.memory_space<smem>>
    %c0_i32 = arith.constant 0 : i32
    %c0_i32_1 = arith.constant 0 : i32
    %c0_i32_2 = arith.constant 0 : i32
    return %get3A_0, %c0_i32, %c0_i32_1 : i32, i32, i32
  }
  func.func @transform_2(%arg0: i32, %arg1: memref<40xi32, #tpu.memory_space<smem>>) -> (i32, i32, i32) {
    %get3A = arith.index_cast %arg0 : i32 to index
    %get3A_0 = memref.load %arg1[%get3A] : memref<40xi32, #tpu.memory_space<smem>>
    %c0_i32 = arith.constant 0 : i32
    %c0_i32_1 = arith.constant 0 : i32
    %c0_i32_2 = arith.constant 0 : i32
    return %get3A_0, %c0_i32, %c0_i32_1 : i32, i32, i32
  }
  func.func @transform_3(%arg0: i32, %arg1: memref<40xi32, #tpu.memory_space<smem>>) -> (i32, i32, i32) {
    %get3A = arith.index_cast %arg0 : i32 to index
    %get3A_0 = memref.load %arg1[%get3A] : memref<40xi32, #tpu.memory_space<smem>>
    %c0_i32 = arith.constant 0 : i32
    %c0_i32_1 = arith.constant 0 : i32
    %c0_i32_2 = arith.constant 0 : i32
    return %get3A_0, %c0_i32, %c0_i32_1 : i32, i32, i32
  }
  func.func @transform_4(%arg0: i32, %arg1: memref<40xi32, #tpu.memory_space<smem>>) -> (i32, i32, i32) {
    %get3A = arith.index_cast %arg0 : i32 to index
    %get3A_0 = memref.load %arg1[%get3A] : memref<40xi32, #tpu.memory_space<smem>>
    %c0_i32 = arith.constant 0 : i32
    %c0_i32_1 = arith.constant 0 : i32
    %c0_i32_2 = arith.constant 0 : i32
    return %get3A_0, %c0_i32, %c0_i32_1 : i32, i32, i32
  }
  func.func @transform_5(%arg0: i32, %arg1: memref<40xi32, #tpu.memory_space<smem>>) -> (i32, i32, i32) {
    %get3A = arith.index_cast %arg0 : i32 to index
    %get3A_0 = memref.load %arg1[%get3A] : memref<40xi32, #tpu.memory_space<smem>>
    %c0_i32 = arith.constant 0 : i32
    %c0_i32_1 = arith.constant 0 : i32
    %c0_i32_2 = arith.constant 0 : i32
    return %get3A_0, %c0_i32, %c0_i32_1 : i32, i32, i32
  }
  func.func @transform_6(%arg0: i32, %arg1: memref<40xi32, #tpu.memory_space<smem>>) -> (i32, i32, i32) {
    %get3A = arith.index_cast %arg0 : i32 to index
    %get3A_0 = memref.load %arg1[%get3A] : memref<40xi32, #tpu.memory_space<smem>>
    %c0_i32 = arith.constant 0 : i32
    %c0_i32_1 = arith.constant 0 : i32
    %c0_i32_2 = arith.constant 0 : i32
    return %get3A_0, %c0_i32, %c0_i32_1 : i32, i32, i32
  }
  func.func @transform_7(%arg0: i32, %arg1: memref<40xi32, #tpu.memory_space<smem>>) -> (i32, i32) {
    %c0_i32 = arith.constant 0 : i32
    %c0_i32_0 = arith.constant 0 : i32
    return %arg0, %c0_i32 : i32, i32
  }
}

module attributes {stable_mosaic.version = 14 : i64} {
  func.func @_fn_body(%arg0: i32, %arg1: memref<512x72xf32, #tpu.memory_space<vmem>>, %arg2: memref<512x64xf32, #tpu.memory_space<vmem>>, %arg3: memref<512x1xf32, #tpu.memory_space<vmem>>, %arg4: memref<512x128xf32, #tpu.memory_space<vmem>>, %arg5: memref<512x128xf32, #tpu.memory_space<vmem>>, %arg6: memref<136x1024xf32, #tpu.memory_space<vmem>>, %arg7: memref<1x1024xf32, #tpu.memory_space<vmem>>, %arg8: memref<1x1024xf32, #tpu.memory_space<vmem>>, %arg9: memref<1x1024xf32, #tpu.memory_space<vmem>>, %arg10: memref<1024x1024xbf16, #tpu.memory_space<vmem>>, %arg11: memref<1x1024xf32, #tpu.memory_space<vmem>>, %arg12: memref<1x1024xf32, #tpu.memory_space<vmem>>, %arg13: memref<1x1024xf32, #tpu.memory_space<vmem>>, %arg14: memref<1024x1024xbf16, #tpu.memory_space<vmem>>, %arg15: memref<1x1024xf32, #tpu.memory_space<vmem>>, %arg16: memref<1024x29xf32, #tpu.memory_space<vmem>>, %arg17: memref<1x29xf32, #tpu.memory_space<vmem>>, %arg18: memref<1024x75xf32, #tpu.memory_space<vmem>>, %arg19: memref<1x75xf32, #tpu.memory_space<vmem>>, %arg20: memref<512x29xf32, #tpu.memory_space<vmem>>, %arg21: memref<512x1024xf32, #tpu.memory_space<vmem>>, %arg22: memref<512x29xf32, #tpu.memory_space<vmem>>, %arg23: memref<512x75xf32, #tpu.memory_space<vmem>>) attributes {dimension_semantics = [#tpu.dimension_semantics<arbitrary>], iteration_bounds = array<i64: 8>, scalar_prefetch = 0 : i64, scratch_operands = 0 : i64, tpu.core_type = #tpu.core_type<tc>, window_params = [{transform_indices = @transform_0, window_bounds = array<i64: 512, 72>}, {transform_indices = @transform_1, window_bounds = array<i64: 512, 64>}, {transform_indices = @transform_2, window_bounds = array<i64: 512, 1>}, {transform_indices = @transform_3, window_bounds = array<i64: 512, 128>}, {transform_indices = @transform_4, window_bounds = array<i64: 512, 128>}, {pipeline_mode = #tpu.pipeline_mode<synchronous>, transform_indices = @transform_5, window_bounds = array<i64: 136, 1024>}, {pipeline_mode = #tpu.pipeline_mode<synchronous>, transform_indices = @transform_6, window_bounds = array<i64: 1, 1024>}, {pipeline_mode = #tpu.pipeline_mode<synchronous>, transform_indices = @transform_7, window_bounds = array<i64: 1, 1024>}, {pipeline_mode = #tpu.pipeline_mode<synchronous>, transform_indices = @transform_8, window_bounds = array<i64: 1, 1024>}, {pipeline_mode = #tpu.pipeline_mode<synchronous>, transform_indices = @transform_9, window_bounds = array<i64: 1024, 1024>}, {pipeline_mode = #tpu.pipeline_mode<synchronous>, transform_indices = @transform_10, window_bounds = array<i64: 1, 1024>}, {pipeline_mode = #tpu.pipeline_mode<synchronous>, transform_indices = @transform_11, window_bounds = array<i64: 1, 1024>}, {pipeline_mode = #tpu.pipeline_mode<synchronous>, transform_indices = @transform_12, window_bounds = array<i64: 1, 1024>}, {pipeline_mode = #tpu.pipeline_mode<synchronous>, transform_indices = @transform_13, window_bounds = array<i64: 1024, 1024>}, {pipeline_mode = #tpu.pipeline_mode<synchronous>, transform_indices = @transform_14, window_bounds = array<i64: 1, 1024>}, {pipeline_mode = #tpu.pipeline_mode<synchronous>, transform_indices = @transform_15, window_bounds = array<i64: 1024, 29>}, {pipeline_mode = #tpu.pipeline_mode<synchronous>, transform_indices = @transform_16, window_bounds = array<i64: 1, 29>}, {pipeline_mode = #tpu.pipeline_mode<synchronous>, transform_indices = @transform_17, window_bounds = array<i64: 1024, 75>}, {pipeline_mode = #tpu.pipeline_mode<synchronous>, transform_indices = @transform_18, window_bounds = array<i64: 1, 75>}, {transform_indices = @transform_19, window_bounds = array<i64: 512, 29>}, {transform_indices = @transform_20, window_bounds = array<i64: 512, 1024>}, {transform_indices = @transform_21, window_bounds = array<i64: 512, 29>}, {transform_indices = @transform_22, window_bounds = array<i64: 512, 75>}]} {
    %get3A = arith.constant 0 : index
    %get3A_0 = arith.constant 0 : index
    %get3A_1 = vector.load %arg4[%get3A, %get3A_0] : memref<512x128xf32, #tpu.memory_space<vmem>>, vector<512x128xf32>
    %get3A_2 = arith.constant 0 : index
    %get3A_3 = arith.constant 0 : index
    %get3A_4 = vector.load %arg5[%get3A_2, %get3A_3] : memref<512x128xf32, #tpu.memory_space<vmem>>, vector<512x128xf32>
    %add3A = arith.addf %get3A_1, %get3A_4 : vector<512x128xf32>
    %slice3A = vector.extract_strided_slice %add3A {offsets = [0, 0], sizes = [512, 29], strides = [1, 1]} : vector<512x128xf32> to vector<512x29xf32>
    %swap3A = arith.constant 0 : index
    %swap3A_5 = arith.constant 0 : index
    %swap3A_6 = vector.load %arg20[%swap3A, %swap3A_5] : memref<512x29xf32, #tpu.memory_space<vmem>>, vector<512x29xf32>
    tpu.vector_store %arg20[%swap3A, %swap3A_5], %slice3A {strides = array<i32>} : memref<512x29xf32, #tpu.memory_space<vmem>>, vector<512x29xf32>,
    %get3A_7 = arith.constant 0 : index
    %get3A_8 = arith.constant 0 : index
    %get3A_9 = vector.load %arg1[%get3A_7, %get3A_8] : memref<512x72xf32, #tpu.memory_space<vmem>>, vector<512x72xf32>
    %get3A_10 = arith.constant 0 : index
    %get3A_11 = arith.constant 0 : index
    %get3A_12 = vector.load %arg2[%get3A_10, %get3A_11] : memref<512x64xf32, #tpu.memory_space<vmem>>, vector<512x64xf32>
    %concatenate3A = tpu.concatenate %get3A_9, %get3A_12 in 1 : vector<512x72xf32>, vector<512x64xf32> -> vector<512x136xf32>
    %get3A_13 = arith.constant 0 : index
    %get3A_14 = arith.constant 0 : index
    %get3A_15 = vector.load %arg6[%get3A_13, %get3A_14] : memref<136x1024xf32, #tpu.memory_space<vmem>>, vector<136x1024xf32>
    %dot_general3A = arith.constant dense<0.000000e+00> : vector<512x1024xf32>
    %dot_general3A_16 = tpu.matmul %concatenate3A, %get3A_15, %dot_general3A {dimension_numbers = #tpu.dot_dimension_numbers<[1], [0], [0], [1], [0, 0, 1, 1], [], []>, transpose_lhs_hint = false} : vector<512x136xf32>, vector<136x1024xf32>, vector<512x1024xf32> -> vector<512x1024xf32>
    %get3A_17 = arith.constant 0 : index
    %get3A_18 = arith.constant 0 : index
    %get3A_19 = vector.load %arg7[%get3A_17, %get3A_18] : memref<1x1024xf32, #tpu.memory_space<vmem>>, vector<1x1024xf32>
    %add3A_20 = vector.broadcast %get3A_19 : vector<1x1024xf32> to vector<512x1024xf32>
    %add3A_21 = arith.addf %dot_general3A_16, %add3A_20 : vector<512x1024xf32>
    %get3A_22 = arith.constant 0 : index
    %get3A_23 = arith.constant 0 : index
    %get3A_24 = vector.load %arg8[%get3A_22, %get3A_23] : memref<1x1024xf32, #tpu.memory_space<vmem>>, vector<1x1024xf32>
    %get3A_25 = arith.constant 0 : index
    %get3A_26 = arith.constant 0 : index
    %get3A_27 = vector.load %arg9[%get3A_25, %get3A_26] : memref<1x1024xf32, #tpu.memory_space<vmem>>, vector<1x1024xf32>
    %reduce_sum3A = arith.constant dense<0.000000e+00> : vector<512xf32>
    %reduce_sum3A_28 = vector.multi_reduction <add>, %add3A_21, %reduce_sum3A [1] : vector<512x1024xf32> to vector<512xf32>
    %broadcast_in_dim3A = vector.shape_cast %reduce_sum3A_28 : vector<512xf32> to vector<512x1xf32>
    %div3A = arith.constant 1.024000e+03 : f32
    %div3A_29 = vector.broadcast %div3A : f32 to vector<512x1xf32>
    %div3A_30 = arith.divf %broadcast_in_dim3A, %div3A_29 : vector<512x1xf32>
    %sub3A = vector.broadcast %div3A_30 : vector<512x1xf32> to vector<512x1024xf32>
    %sub3A_31 = arith.subf %add3A_21, %sub3A : vector<512x1024xf32>
    %integer_pow3A = arith.mulf %sub3A_31, %sub3A_31 : vector<512x1024xf32>
    %reduce_sum3A_32 = arith.constant dense<0.000000e+00> : vector<512xf32>
    %reduce_sum3A_33 = vector.multi_reduction <add>, %integer_pow3A, %reduce_sum3A_32 [1] : vector<512x1024xf32> to vector<512xf32>
    %broadcast_in_dim3A_34 = vector.shape_cast %reduce_sum3A_33 : vector<512xf32> to vector<512x1xf32>
    %div3A_35 = arith.constant 1.024000e+03 : f32
    %div3A_36 = vector.broadcast %div3A_35 : f32 to vector<512x1xf32>
    %div3A_37 = arith.divf %broadcast_in_dim3A_34, %div3A_36 : vector<512x1xf32>
    %sub3A_38 = vector.broadcast %div3A_30 : vector<512x1xf32> to vector<512x1024xf32>
    %sub3A_39 = arith.subf %add3A_21, %sub3A_38 : vector<512x1024xf32>
    %add3A_40 = arith.constant 9.99999974E-6 : f32
    %add3A_41 = vector.broadcast %add3A_40 : f32 to vector<512x1xf32>
    %add3A_42 = arith.addf %div3A_37, %add3A_41 : vector<512x1xf32>
    %sqrt3A = math.sqrt %add3A_42 : vector<512x1xf32>
    %div3A_43 = vector.broadcast %sqrt3A : vector<512x1xf32> to vector<512x1024xf32>
    %div3A_44 = arith.divf %sub3A_39, %div3A_43 : vector<512x1024xf32>
    %mul3A = vector.broadcast %get3A_24 : vector<1x1024xf32> to vector<512x1024xf32>
    %mul3A_45 = arith.mulf %div3A_44, %mul3A : vector<512x1024xf32>
    %add3A_46 = vector.broadcast %get3A_27 : vector<1x1024xf32> to vector<512x1024xf32>
    %add3A_47 = arith.addf %mul3A_45, %add3A_46 : vector<512x1024xf32>
    %max3A = arith.constant 0.000000e+00 : f32
    %max3A_48 = vector.broadcast %max3A : f32 to vector<512x1024xf32>
    %max3A_49 = arith.maximumf %add3A_47, %max3A_48 : vector<512x1024xf32>
    %convert_element_type3A = arith.truncf %max3A_49 : vector<512x1024xf32> to vector<512x1024xbf16>
    %get3A_50 = arith.constant 0 : index
    %get3A_51 = arith.constant 0 : index
    %get3A_52 = vector.load %arg10[%get3A_50, %get3A_51] : memref<1024x1024xbf16, #tpu.memory_space<vmem>>, vector<1024x1024xbf16>
    %dot_general3A_53 = arith.constant dense<0.000000e+00> : vector<512x1024xf32>
    %dot_general3A_54 = tpu.matmul %convert_element_type3A, %get3A_52, %dot_general3A_53 {dimension_numbers = #tpu.dot_dimension_numbers<[1], [0], [0], [1], [0, 0, 1, 1], [], []>, transpose_lhs_hint = false} : vector<512x1024xbf16>, vector<1024x1024xbf16>, vector<512x1024xf32> -> vector<512x1024xf32>
    %get3A_55 = arith.constant 0 : index
    %get3A_56 = arith.constant 0 : index
    %get3A_57 = vector.load %arg11[%get3A_55, %get3A_56] : memref<1x1024xf32, #tpu.memory_space<vmem>>, vector<1x1024xf32>
    %add3A_58 = vector.broadcast %get3A_57 : vector<1x1024xf32> to vector<512x1024xf32>
    %add3A_59 = arith.addf %dot_general3A_54, %add3A_58 : vector<512x1024xf32>
    %get3A_60 = arith.constant 0 : index
    %get3A_61 = arith.constant 0 : index
    %get3A_62 = vector.load %arg12[%get3A_60, %get3A_61] : memref<1x1024xf32, #tpu.memory_space<vmem>>, vector<1x1024xf32>
    %get3A_63 = arith.constant 0 : index
    %get3A_64 = arith.constant 0 : index
    %get3A_65 = vector.load %arg13[%get3A_63, %get3A_64] : memref<1x1024xf32, #tpu.memory_space<vmem>>, vector<1x1024xf32>
    %reduce_sum3A_66 = arith.constant dense<0.000000e+00> : vector<512xf32>
    %reduce_sum3A_67 = vector.multi_reduction <add>, %add3A_59, %reduce_sum3A_66 [1] : vector<512x1024xf32> to vector<512xf32>
    %broadcast_in_dim3A_68 = vector.shape_cast %reduce_sum3A_67 : vector<512xf32> to vector<512x1xf32>
    %div3A_69 = arith.constant 1.024000e+03 : f32
    %div3A_70 = vector.broadcast %div3A_69 : f32 to vector<512x1xf32>
    %div3A_71 = arith.divf %broadcast_in_dim3A_68, %div3A_70 : vector<512x1xf32>
    %sub3A_72 = vector.broadcast %div3A_71 : vector<512x1xf32> to vector<512x1024xf32>
    %sub3A_73 = arith.subf %add3A_59, %sub3A_72 : vector<512x1024xf32>
    %integer_pow3A_74 = arith.mulf %sub3A_73, %sub3A_73 : vector<512x1024xf32>
    %reduce_sum3A_75 = arith.constant dense<0.000000e+00> : vector<512xf32>
    %reduce_sum3A_76 = vector.multi_reduction <add>, %integer_pow3A_74, %reduce_sum3A_75 [1] : vector<512x1024xf32> to vector<512xf32>
    %broadcast_in_dim3A_77 = vector.shape_cast %reduce_sum3A_76 : vector<512xf32> to vector<512x1xf32>
    %div3A_78 = arith.constant 1.024000e+03 : f32
    %div3A_79 = vector.broadcast %div3A_78 : f32 to vector<512x1xf32>
    %div3A_80 = arith.divf %broadcast_in_dim3A_77, %div3A_79 : vector<512x1xf32>
    %sub3A_81 = vector.broadcast %div3A_71 : vector<512x1xf32> to vector<512x1024xf32>
    %sub3A_82 = arith.subf %add3A_59, %sub3A_81 : vector<512x1024xf32>
    %add3A_83 = arith.constant 9.99999974E-6 : f32
    %add3A_84 = vector.broadcast %add3A_83 : f32 to vector<512x1xf32>
    %add3A_85 = arith.addf %div3A_80, %add3A_84 : vector<512x1xf32>
    %sqrt3A_86 = math.sqrt %add3A_85 : vector<512x1xf32>
    %div3A_87 = vector.broadcast %sqrt3A_86 : vector<512x1xf32> to vector<512x1024xf32>
    %div3A_88 = arith.divf %sub3A_82, %div3A_87 : vector<512x1024xf32>
    %mul3A_89 = vector.broadcast %get3A_62 : vector<1x1024xf32> to vector<512x1024xf32>
    %mul3A_90 = arith.mulf %div3A_88, %mul3A_89 : vector<512x1024xf32>
    %add3A_91 = vector.broadcast %get3A_65 : vector<1x1024xf32> to vector<512x1024xf32>
    %add3A_92 = arith.addf %mul3A_90, %add3A_91 : vector<512x1024xf32>
    %max3A_93 = arith.constant 0.000000e+00 : f32
    %max3A_94 = vector.broadcast %max3A_93 : f32 to vector<512x1024xf32>
    %max3A_95 = arith.maximumf %add3A_92, %max3A_94 : vector<512x1024xf32>
    %get3A_96 = arith.constant 0 : index
    %get3A_97 = arith.constant 0 : index
    %get3A_98 = vector.load %arg3[%get3A_96, %get3A_97] : memref<512x1xf32, #tpu.memory_space<vmem>>, vector<512x1xf32>
    %mul3A_99 = vector.broadcast %get3A_98 : vector<512x1xf32> to vector<512x1024xf32>
    %mul3A_100 = arith.mulf %max3A_95, %mul3A_99 : vector<512x1024xf32>
    %convert_element_type3A_101 = arith.truncf %mul3A_100 : vector<512x1024xf32> to vector<512x1024xbf16>
    %get3A_102 = arith.constant 0 : index
    %get3A_103 = arith.constant 0 : index
    %get3A_104 = vector.load %arg14[%get3A_102, %get3A_103] : memref<1024x1024xbf16, #tpu.memory_space<vmem>>, vector<1024x1024xbf16>
    %dot_general3A_105 = arith.constant dense<0.000000e+00> : vector<512x1024xf32>
    %dot_general3A_106 = tpu.matmul %convert_element_type3A_101, %get3A_104, %dot_general3A_105 {dimension_numbers = #tpu.dot_dimension_numbers<[1], [0], [0], [1], [0, 0, 1, 1], [], []>, transpose_lhs_hint = false} : vector<512x1024xbf16>, vector<1024x1024xbf16>, vector<512x1024xf32> -> vector<512x1024xf32>
    %get3A_107 = arith.constant 0 : index
    %get3A_108 = arith.constant 0 : index
    %get3A_109 = vector.load %arg15[%get3A_107, %get3A_108] : memref<1x1024xf32, #tpu.memory_space<vmem>>, vector<1x1024xf32>
    %add3A_110 = vector.broadcast %get3A_109 : vector<1x1024xf32> to vector<512x1024xf32>
    %add3A_111 = arith.addf %dot_general3A_106, %add3A_110 : vector<512x1024xf32>
    %max3A_112 = arith.constant 0.000000e+00 : f32
    %max3A_113 = vector.broadcast %max3A_112 : f32 to vector<512x1024xf32>
    %max3A_114 = arith.maximumf %add3A_111, %max3A_113 : vector<512x1024xf32>
    %get3A_115 = arith.constant 0 : index
    %get3A_116 = arith.constant 0 : index
    %get3A_117 = vector.load %arg16[%get3A_115, %get3A_116] : memref<1024x29xf32, #tpu.memory_space<vmem>>, vector<1024x29xf32>
    %dot_general3A_118 = arith.constant dense<0.000000e+00> : vector<512x29xf32>
    %dot_general3A_119 = tpu.matmul %max3A_114, %get3A_117, %dot_general3A_118 {dimension_numbers = #tpu.dot_dimension_numbers<[1], [0], [0], [1], [0, 0, 1, 1], [], []>, transpose_lhs_hint = false} : vector<512x1024xf32>, vector<1024x29xf32>, vector<512x29xf32> -> vector<512x29xf32>
    %get3A_120 = arith.constant 0 : index
    %get3A_121 = arith.constant 0 : index
    %get3A_122 = vector.load %arg17[%get3A_120, %get3A_121] : memref<1x29xf32, #tpu.memory_space<vmem>>, vector<1x29xf32>
    %add3A_123 = vector.broadcast %get3A_122 : vector<1x29xf32> to vector<512x29xf32>
    %add3A_124 = arith.addf %dot_general3A_119, %add3A_123 : vector<512x29xf32>
    %jit3A = arith.constant -9.21034049 : f32
    %jit3A_125 = arith.constant 1.60943794 : f32
    %max3A_126 = vector.broadcast %jit3A : f32 to vector<512x29xf32>
    %max3A_127 = arith.maximumf %max3A_126, %add3A_124 : vector<512x29xf32>
    %min3A = vector.broadcast %jit3A_125 : f32 to vector<512x29xf32>
    %min3A_128 = arith.minimumf %min3A, %max3A_127 : vector<512x29xf32>
    %get3A_129 = arith.constant 0 : index
    %get3A_130 = arith.constant 0 : index
    %get3A_131 = vector.load %arg18[%get3A_129, %get3A_130] : memref<1024x75xf32, #tpu.memory_space<vmem>>, vector<1024x75xf32>
    %dot_general3A_132 = arith.constant dense<0.000000e+00> : vector<512x75xf32>
    %dot_general3A_133 = tpu.matmul %mul3A_100, %get3A_131, %dot_general3A_132 {dimension_numbers = #tpu.dot_dimension_numbers<[1], [0], [0], [1], [0, 0, 1, 1], [], []>, transpose_lhs_hint = false} : vector<512x1024xf32>, vector<1024x75xf32>, vector<512x75xf32> -> vector<512x75xf32>
    %get3A_134 = arith.constant 0 : index
    %get3A_135 = arith.constant 0 : index
    %get3A_136 = vector.load %arg19[%get3A_134, %get3A_135] : memref<1x75xf32, #tpu.memory_space<vmem>>, vector<1x75xf32>
    %add3A_137 = vector.broadcast %get3A_136 : vector<1x75xf32> to vector<512x75xf32>
    %add3A_138 = arith.addf %dot_general3A_133, %add3A_137 : vector<512x75xf32>
    %logistic3A = arith.negf %add3A_138 : vector<512x75xf32>
    %logistic3A_139 = math.exp %logistic3A : vector<512x75xf32>
    %logistic3A_140 = arith.constant 1.000000e+00 : f32
    %logistic3A_141 = vector.broadcast %logistic3A_140 : f32 to vector<512x75xf32>
    %logistic3A_142 = arith.addf %logistic3A_141, %logistic3A_139 : vector<512x75xf32>
    %logistic3A_143 = arith.divf %logistic3A_141, %logistic3A_142 : vector<512x75xf32>
    %mul3A_144 = arith.constant 4.500000e-01 : f32
    %mul3A_145 = vector.broadcast %mul3A_144 : f32 to vector<512x75xf32>
    %mul3A_146 = arith.mulf %mul3A_145, %logistic3A_143 : vector<512x75xf32>
    %add3A_147 = arith.constant 5.000000e-02 : f32
    %add3A_148 = vector.broadcast %add3A_147 : f32 to vector<512x75xf32>
    %add3A_149 = arith.addf %add3A_148, %mul3A_146 : vector<512x75xf32>
    %swap3A_150 = arith.constant 0 : index
    %swap3A_151 = arith.constant 0 : index
    %swap3A_152 = vector.load %arg21[%swap3A_150, %swap3A_151] : memref<512x1024xf32, #tpu.memory_space<vmem>>, vector<512x1024xf32>
    tpu.vector_store %arg21[%swap3A_150, %swap3A_151], %mul3A_100 {strides = array<i32>} : memref<512x1024xf32, #tpu.memory_space<vmem>>, vector<512x1024xf32>,
    %swap3A_153 = arith.constant 0 : index
    %swap3A_154 = arith.constant 0 : index
    %swap3A_155 = vector.load %arg22[%swap3A_153, %swap3A_154] : memref<512x29xf32, #tpu.memory_space<vmem>>, vector<512x29xf32>
    tpu.vector_store %arg22[%swap3A_153, %swap3A_154], %min3A_128 {strides = array<i32>} : memref<512x29xf32, #tpu.memory_space<vmem>>, vector<512x29xf32>,
    %log3A = math.log %add3A_149 : vector<512x75xf32>
    %swap3A_156 = arith.constant 0 : index
    %swap3A_157 = arith.constant 0 : index
    %swap3A_158 = vector.load %arg23[%swap3A_156, %swap3A_157] : memref<512x75xf32, #tpu.memory_space<vmem>>, vector<512x75xf32>
    tpu.vector_store %arg23[%swap3A_156, %swap3A_157], %log3A {strides = array<i32>} : memref<512x75xf32, #tpu.memory_space<vmem>>, vector<512x75xf32>,
    return
  }
  func.func @transform_0(%arg0: i32) -> (i32, i32) {
    %c0_i32 = arith.constant 0 : i32
    %c0_i32_0 = arith.constant 0 : i32
    return %arg0, %c0_i32 : i32, i32
  }
  func.func @transform_1(%arg0: i32) -> (i32, i32) {
    %c0_i32 = arith.constant 0 : i32
    %c0_i32_0 = arith.constant 0 : i32
    return %arg0, %c0_i32 : i32, i32
  }
  func.func @transform_2(%arg0: i32) -> (i32, i32) {
    %c0_i32 = arith.constant 0 : i32
    %c0_i32_0 = arith.constant 0 : i32
    return %arg0, %c0_i32 : i32, i32
  }
  func.func @transform_3(%arg0: i32) -> (i32, i32) {
    %c0_i32 = arith.constant 0 : i32
    %c0_i32_0 = arith.constant 0 : i32
    return %arg0, %c0_i32 : i32, i32
  }
  func.func @transform_4(%arg0: i32) -> (i32, i32) {
    %c0_i32 = arith.constant 0 : i32
    %c0_i32_0 = arith.constant 0 : i32
    return %arg0, %c0_i32 : i32, i32
  }
  func.func @transform_5(%arg0: i32) -> (i32, i32) {
    %c0_i32 = arith.constant 0 : i32
    %c0_i32_0 = arith.constant 0 : i32
    %c0_i32_1 = arith.constant 0 : i32
    return %c0_i32, %c0_i32_0 : i32, i32
  }
  func.func @transform_6(%arg0: i32) -> (i32, i32) {
    %c0_i32 = arith.constant 0 : i32
    %c0_i32_0 = arith.constant 0 : i32
    %c0_i32_1 = arith.constant 0 : i32
    return %c0_i32, %c0_i32_0 : i32, i32
  }
  func.func @transform_7(%arg0: i32) -> (i32, i32) {
    %c0_i32 = arith.constant 0 : i32
    %c0_i32_0 = arith.constant 0 : i32
    %c0_i32_1 = arith.constant 0 : i32
    return %c0_i32, %c0_i32_0 : i32, i32
  }
  func.func @transform_8(%arg0: i32) -> (i32, i32) {
    %c0_i32 = arith.constant 0 : i32
    %c0_i32_0 = arith.constant 0 : i32
    %c0_i32_1 = arith.constant 0 : i32
    return %c0_i32, %c0_i32_0 : i32, i32
  }
  func.func @transform_9(%arg0: i32) -> (i32, i32) {
    %c0_i32 = arith.constant 0 : i32
    %c0_i32_0 = arith.constant 0 : i32
    %c0_i32_1 = arith.constant 0 : i32
    return %c0_i32, %c0_i32_0 : i32, i32
  }
  func.func @transform_10(%arg0: i32) -> (i32, i32) {
    %c0_i32 = arith.constant 0 : i32
    %c0_i32_0 = arith.constant 0 : i32
    %c0_i32_1 = arith.constant 0 : i32
    return %c0_i32, %c0_i32_0 : i32, i32
  }
  func.func @transform_11(%arg0: i32) -> (i32, i32) {
    %c0_i32 = arith.constant 0 : i32
    %c0_i32_0 = arith.constant 0 : i32
    %c0_i32_1 = arith.constant 0 : i32
    return %c0_i32, %c0_i32_0 : i32, i32
  }
  func.func @transform_12(%arg0: i32) -> (i32, i32) {
    %c0_i32 = arith.constant 0 : i32
    %c0_i32_0 = arith.constant 0 : i32
    %c0_i32_1 = arith.constant 0 : i32
    return %c0_i32, %c0_i32_0 : i32, i32
  }
  func.func @transform_13(%arg0: i32) -> (i32, i32) {
    %c0_i32 = arith.constant 0 : i32
    %c0_i32_0 = arith.constant 0 : i32
    %c0_i32_1 = arith.constant 0 : i32
    return %c0_i32, %c0_i32_0 : i32, i32
  }
  func.func @transform_14(%arg0: i32) -> (i32, i32) {
    %c0_i32 = arith.constant 0 : i32
    %c0_i32_0 = arith.constant 0 : i32
    %c0_i32_1 = arith.constant 0 : i32
    return %c0_i32, %c0_i32_0 : i32, i32
  }
  func.func @transform_15(%arg0: i32) -> (i32, i32) {
    %c0_i32 = arith.constant 0 : i32
    %c0_i32_0 = arith.constant 0 : i32
    %c0_i32_1 = arith.constant 0 : i32
    return %c0_i32, %c0_i32_0 : i32, i32
  }
  func.func @transform_16(%arg0: i32) -> (i32, i32) {
    %c0_i32 = arith.constant 0 : i32
    %c0_i32_0 = arith.constant 0 : i32
    %c0_i32_1 = arith.constant 0 : i32
    return %c0_i32, %c0_i32_0 : i32, i32
  }
  func.func @transform_17(%arg0: i32) -> (i32, i32) {
    %c0_i32 = arith.constant 0 : i32
    %c0_i32_0 = arith.constant 0 : i32
    %c0_i32_1 = arith.constant 0 : i32
    return %c0_i32, %c0_i32_0 : i32, i32
  }
  func.func @transform_18(%arg0: i32) -> (i32, i32) {
    %c0_i32 = arith.constant 0 : i32
    %c0_i32_0 = arith.constant 0 : i32
    %c0_i32_1 = arith.constant 0 : i32
    return %c0_i32, %c0_i32_0 : i32, i32
  }
  func.func @transform_19(%arg0: i32) -> (i32, i32) {
    %c0_i32 = arith.constant 0 : i32
    %c0_i32_0 = arith.constant 0 : i32
    return %arg0, %c0_i32 : i32, i32
  }
  func.func @transform_20(%arg0: i32) -> (i32, i32) {
    %c0_i32 = arith.constant 0 : i32
    %c0_i32_0 = arith.constant 0 : i32
    return %arg0, %c0_i32 : i32, i32
  }
  func.func @transform_21(%arg0: i32) -> (i32, i32) {
    %c0_i32 = arith.constant 0 : i32
    %c0_i32_0 = arith.constant 0 : i32
    return %arg0, %c0_i32 : i32, i32
  }
  func.func @transform_22(%arg0: i32) -> (i32, i32) {
    %c0_i32 = arith.constant 0 : i32
    %c0_i32_0 = arith.constant 0 : i32
    return %arg0, %c0_i32 : i32, i32
  }
}

</mosaic_0001>

<sc_bundles>
// kernel: kernel.10.cloned.1.call-start
scs
__scs_entry_jumppad:
0x0: {  	(pc) =	sbr.rel $0x88, $3  }
0x1: {  	(tag) =	ssettag $0x0;
	lr =	simm.s32 $0x1  }
0x2: {  	[smem:$0x3F7D] =	sst lr;
	_ =	strace $0xD0000000  }
0x3: {  	_ = 	snop  }
0x4: {  	_ = 	snop  }
0x5: {  	_ = 	snop  }
0x6: {  	_ = 	snop  }
0x7: {  	_ = 	snop  }
__scs_overlays_trampoline_lowered:
0x8: {  	[smem:$0x3F8C] =	sst s0  }
0x9: {  	[smem:$0x3F8D] =	sst s1  }
0xa: {  	[smem:$0x3F8E] =	sst s2  }
0xb: {  	[smem:$0x3F8F] =	sst s3  }
0xc: {  	[smem:$0x3F90] =	sst s4  }
0xd: {  	[smem:$0x3F91] =	sst s5  }
0xe: {  	[smem:$0x3F92] =	sst s6  }
0xf: {  	[smem:$0x3F93] =	sst s7  }
0x10: {  	[smem:$0x3F94] =	sst s8  }
0x11: {  	[smem:$0x3F95] =	sst s9;
	s0 =	simm.s32 @!p0 $0x0  }
0x12: {  	s1 =	sld [smem:$0x3F7B];
	s0 =	simm.s32 @p0 $0x1  }
0x13: {  	[smem:$0x3F96] =	sst s0;
	s0 =	simm.s32 @!p1 $0x0  }
0x14: {  	s2 =	sld [smem:$0x3F7A];
	s0 =	simm.s32 @p1 $0x1  }
0x15: {  	[smem:$0x3F97] =	sst s0;
	s0 =	simm.s32 @!p2 $0x0  }
0x16: {  	s3 =	sld [smem:$0x3FDB];
	s0 =	simm.s32 @p2 $0x1  }
0x17: {  	s4 =	simm.s32 $0x1BF5;
	[smem:$0x3F99] =	sst s0  }
0x18: {  	s0 =	sld [smem:$0x3F7C];
	_ =	swait.ge [sflag:s4], $0x0  }
0x19: {  	s7 =	sld [smem:$0x3F7D]  }
0x1a: {  	s8 =	sadd.s32 $0xFFFFE003, lr  }
0x1b: {  	s9 =	sadd.s32 $0xFFFFFEF7, lr;
	s5 =	simm.s32 $0xFFFFFFFF;
	p2 =	slt.u32 s8, $0xFFFFF086  }
0x1c: {  	p1 =	slt.u32 s9, $0xF7A;
	s5 =	simm.s32 @!p2 $0x0  }
0x1d: {  	s5 =	simm.s32 @p1 $0x1;
	p0 =	seq.s32 s7, s2  }
0x1e: {  	s7 =	smul.u32 @!p0 $0xF7A, s2;
	p2 =	seq.s32 @!p0 s5, $0x0  }
0x1f: {  	s9 =	smul.u32 $0xF7A, s1;
	s8 =	simm.s32 @!p0 $0x1BF5;
	p2 =	por !p2, p0  }
0x20: {  	[sflag:s8] =	ssyncset.s32 @!p0 $0xFFFFF086;
	s6 =	sadd.s32 @!p0 s3, s7;
	s7 =	simm.s32 @!p0 $0x108  }
0x21: {  	s3 =	sadd.s32 s3, s9;
	s6 =	sadd.s32 @!p0 $0x88, s6;
	s7 =	simm.s32 @p2 $0x1082  }
0x22: {  	[simem:s7], [sflag:s8] =	dma.local @!p0 [hbm:s6], $0xF7A  }
0x23: {  	s9 =	sor.u32 $0xD0000000, s2;
	s6 =	simm.s32 $0x108;
	_ =	swait.ge @!p0 [sflag:s8], $0x0  }
0x24: {  	s3 =	sadd.s32 $0x88, s3;
	s6 =	simm.s32 @!p1 $0x1082;
	[sflag:s4] =	ssyncset.s32 $0xFFFFF086  }
0x25: {  	[simem:s6], [sflag:s4] =	dma.local [hbm:s3], $0xF7A  }
0x26: {  	[smem:$0x3F7D] =	sst s1;
	(tag) =	ssettag s2;
	_ =	strace s9  }
0x27: {  	s1 =	sld [smem:$0x3F8D]  }
0x28: {  	s2 =	sld [smem:$0x3F8E]  }
0x29: {  	s4 =	sld [smem:$0x3F90]  }
0x2a: {  	p0 =	seq.s32 s5, $0x0;
	s5 =	sld [smem:$0x3F91]  }
0x2b: {  	s6 =	sld [smem:$0x3F92]  }
0x2c: {  	s7 =	sld [smem:$0x3F93]  }
0x2d: {  	s3 =	simm.s32 $0x108;
	s8 =	sld [smem:$0x3F94]  }
0x2e: {  	s3 =	simm.s32 @!p0 $0x1082;
	s9 =	sld [smem:$0x3F95]  }
0x2f: {  	lr =	sadd.s32 s0, s3;
	s0 =	sld [smem:$0x3F8C]  }
0x30: {  	s3 =	sld [smem:$0x3F8F]  }
0x31: {  	[smem:$0x3F98] =	sst s10  }
0x32: {  	s10 =	sld [smem:$0x3F96];
	_ =	sdelay $0x3  }
0x33: {  	p0 =	seq.s32 s10, $0x1;
	s10 =	sld [smem:$0x3F98];
	_ =	sdelay $0x3  }
0x34: {  	[smem:$0x3F98] =	sst s10  }
0x35: {  	s10 =	sld [smem:$0x3F97];
	_ =	sdelay $0x3  }
0x36: {  	p1 =	seq.s32 s10, $0x1;
	s10 =	sld [smem:$0x3F98];
	_ =	sdelay $0x3  }
0x37: {  	[smem:$0x3F98] =	sst s10  }
0x38: {  	s10 =	sld [smem:$0x3F99]  }
0x39: {  	_ = 	snop;
	(pc) =	sbr.ind lr, $3  }
0x3a: {  	_ = 	snop  }
0x3b: {  	_ = 	snop  }
0x3c: {  	p2 =	seq.s32 s10, $0x1;
	s10 =	sld [smem:$0x3F98]  }
0x3d: {  	_ =	shalt  }
0x3e: {  	_ =	shalt  }
0x3f: {  	_ =	shalt  }
0x40: {  	_ =	shalt  }
0x41: {  	_ =	shalt  }
0x42: {  	_ =	shalt  }
0x43: {  	_ =	shalt  }
0x44: {  	_ =	shalt  }
0x45: {  	_ =	shalt  }
0x46: {  	_ =	shalt  }
0x47: {  	_ =	shalt  }
0x48: {  	_ =	shalt  }
0x49: {  	_ =	shalt  }
0x4a: {  	_ =	shalt  }
0x4b: {  	_ =	shalt  }
0x4c: {  	_ =	shalt  }
0x4d: {  	_ =	shalt  }
0x4e: {  	_ =	shalt  }
0x4f: {  	_ =	shalt  }
0x50: {  	_ =	shalt  }
0x51: {  	_ =	shalt  }
0x52: {  	_ =	shalt  }
0x53: {  	_ =	shalt  }
0x54: {  	_ =	shalt  }
0x55: {  	_ =	shalt  }
0x56: {  	_ =	shalt  }
0x57: {  	_ =	shalt  }
0x58: {  	_ =	shalt  }
0x59: {  	_ =	shalt  }
0x5a: {  	_ =	shalt  }
0x5b: {  	_ =	shalt  }
0x5c: {  	_ =	shalt  }
0x5d: {  	_ =	shalt  }
0x5e: {  	_ =	shalt  }
0x5f: {  	_ =	shalt  }
0x60: {  	_ =	shalt  }
0x61: {  	_ =	shalt  }
0x62: {  	_ =	shalt  }
0x63: {  	_ =	shalt  }
0x64: {  	_ =	shalt  }
0x65: {  	_ =	shalt  }
0x66: {  	_ =	shalt  }
0x67: {  	_ =	shalt  }
0x68: {  	_ =	shalt  }
0x69: {  	_ =	shalt  }
0x6a: {  	_ =	shalt  }
0x6b: {  	_ =	shalt  }
0x6c: {  	_ =	shalt  }
0x6d: {  	_ =	shalt  }
0x6e: {  	_ =	shalt  }
0x6f: {  	_ =	shalt  }
0x70: {  	_ =	shalt  }
0x71: {  	_ =	shalt  }
0x72: {  	_ =	shalt  }
0x73: {  	_ =	shalt  }
0x74: {  	_ =	shalt  }
0x75: {  	_ =	shalt  }
0x76: {  	_ =	shalt  }
0x77: {  	_ =	shalt  }
0x78: {  	_ =	shalt  }
0x79: {  	_ =	shalt  }
0x7a: {  	_ =	shalt  }
0x7b: {  	_ =	shalt  }
0x7c: {  	_ =	shalt  }
0x7d: {  	_ =	shalt  }
0x7e: {  	_ =	shalt  }
0x7f: {  	_ =	shalt  }
0x80: {  	_ =	shalt  }
0x81: {  	_ =	shalt  }
0x82: {  	_ =	shalt  }
0x83: {  	_ =	shalt  }
0x84: {  	_ =	shalt  }
0x85: {  	_ =	shalt  }
0x86: {  	_ =	shalt  }
0x87: {  	_ =	shalt  }
.Lfunc_end0:
.L_simem_size_0:
called_computation.1_lowered:
.L_overlay_start_0:
0x88: {  	s2 =	sld [smem:$0x3FD9]  }
0x89: {  	s3 =	sld [smem:$0x3FFE];
	_ =	sdelay $0x1  }
0x8a: {  	s1 =	srdreg.scid  }
0x8b: {  	s0 =	sand.u32 $0x1, s1  }
0x8c: {  	s14 =	sshll.u32 s0, $0xA;
	s2 =	sadd.s32 s3, s2  }
0x8d: {  	s2 =	sadd.s32 s2, s14  }
0x8e: {  	[smem:$0x3FA4] =	sst s2  }
0x8f: {  	_ = 	snop  }
0x90: {  	s2 =	sld [smem:$0x3FD0];
	_ =	sdelay $0x2  }
0x91: {  	s15 =	simm.s32 $0xA;
	s4 =	simm.s32 $0x10  }
0x92: {  	[smem:s4], [sflag:s15] =	dma.local [hbm:s2], $0x1  }
0x93: {  	_ =	swait.eq [sflag:s15], $0x1  }
0x94: {  	s16 =	sld [smem:$0x11];
	[sflag:s15] =	ssyncset.done $0x0  }
0x95: {  	s17 =	sld [smem:$0x12];
	[sflag:s15] =	ssyncadd.s32 $0xFFFFFFFF  }
0x96: {  	s18 =	sld [smem:$0x14];
	(tm) =	ssettm $0x1  }
0x97: {  	s5 =	sld [smem:$0x3FFB];
	_ =	sdelay $0x3  }
0x98: {  	_ =	strace s5  }
0x99: {  	s5 =	sld [smem:$0x3FFC];
	_ =	sdelay $0x3  }
0x9a: {  	_ =	strace s5  }
0x9b: {  	s5 =	sld [smem:$0x3FFD];
	_ =	sdelay $0x3  }
0x9c: {  	_ =	strace s5  }
0x9d: {  	_ =	strace $0x8FFFFFFF  }
0x9e: {  	s19 =	sld [smem:$0x3FDB];
	_ =	sdelay $0x1  }
0x9f: {  	s6 =	simm.s32 $_scs_section_size  }
0xa0: {  	s7 =	simm.s32 $_size__tile_overlayer_lowered;
	s8 =	simm.s32 $_tile_overlayer_lowered  }
0xa1: {  	s22 =	simm.s32 $0x1BFF;
	s21 =	sshll.u32 s8, $0x1;
	s5 =	sadd.s32 s6, s19  }
0xa2: {  	s9 =	simm.s32 $0x0;
	s20 =	sshll.u32 s7, $0x1;
	s7 =	sadd.s32 s21, s5  }
0xa3: {  	[timem:s9], [sflag:s22] =	dma.local [hbm:s7], s20  }
0xa4: {  	_ =	swait.ge [sflag:s22], s20  }
0xa5: {  	s6 =	ssub.s32 $0x0, s20;
	[sflag:s22] =	ssyncset.done $0x0  }
0xa6: {  	[sflag:s22] =	ssyncadd.s32 s6;
	_ =	sdelay $0x1  }
0xa7: {  	s23 =	simm.s32 $0x1B8B  }
0xa8: {  	_ =	swait.ge [sflag:s23], $0x1  }
0xa9: {  	[sflag:s23] =	ssyncset.done $0x0  }
0xaa: {  	s25 =	simm.s32 $0x1B8E;
	s24 =	sld [smem:$0x3FFE];
	[sflag:s23] =	ssyncadd.s32 $0xFFFFFFFF  }
0xab: {  	s26 =	simm.s32 $execute0_lowered;
	[smem:$0x3FD2] =	sst s25  }
0xac: {  	s7 =	sshll.u32 s26, $0x1;
	_ =	strace $0x80000049;
	[dreg:$0x1] =	wrdreg $0xFFFFFFFF  }
0xad: {  	s28 =	simm.s32 $_size_execute0_lowered;
	s5 =	sadd.s32 s5, s7;
	[dreg:$0x0] =	wrdreg $0x0  }
0xae: {  	s7 =	sshll.u32 s28, $0x1;
	[dreg:$0x2] =	wrdreg s5  }
0xaf: {  	[dreg:$0x3] =	wrdreg s7  }
0xb0: {  	[dreg:$0x4] =	wrdreg $0xC0  }
0xb1: {  	_ =	task [dreg:s9], $0x5FFFF  }
0xb2: {  	[dreg:$0x1] =	wrdreg $0xFFFFFFFF  }
0xb3: {  	[dreg:$0x0] =	wrdreg $0x60  }
0xb4: {  	[dreg:$0x2] =	wrdreg s18  }
0xb5: {  	[dreg:$0x3] =	wrdreg s17  }
0xb6: {  	[dreg:$0x4] =	wrdreg s16  }
0xb7: {  	[dreg:$0x5] =	wrdreg s24  }
0xb8: {  	[dreg:$0x6] =	wrdreg $0x9  }
0xb9: {  	_ =	task.clear_ibuf [dreg:s9], $0x7FFFF;
	_ =	strace $0x90000049  }
0xba: {  	s29 =	simm.s32 $0x9;
	_ =	strace $0x8000004B  }
0xbb: {  	_ =	swait.ge [sflag:s29], $0x1  }
0xbc: {  	[sflag:s29] =	ssyncadd.s32 $0xFFFFFFFF  }
0xbd: {  	_ =	strace $0x9000004B  }
0xbe: {  	_ =	sfence  }
0xbf: {  	s30 =	sld [smem:$0x0];
	_ =	sdelay $0x2  }
0xc0: {  	s31 =	sshll.u32 s1, $0xD;
	s1 =	sshrl.u32 s1, $0x2  }
0xc1: {  	s3 =	sand.u32 $0x4000, s31;
	s1 =	sadd.s32 s1, s30  }
0xc2: {  	s0 =	sor.u32 s3, s0;
	s1 =	sshll.u32 s1, $0x11  }
0xc3: {  	s0 =	sor.u32 s1, s0  }
0xc4: {  	s0 =	sadd.s32 $0x8F2B, s0  }
0xc5: {  	[sflag:s0] =	ssyncadd.remote.s32 $0x1  }
0xc6: {  	_ =	sfence.sel $0xFFFF  }
0xc7: {  	[dreg:$0x0] =	wrdreg $0xFFFFFFFF;
	(pc) =	sbr.abs _section_cstart, $3  }
0xc8: {  	[dreg:$0x1] =	wrdreg $0xFFFFFFFF  }
0xc9: {  	_ =	task.clear_ibuf [dreg:s9], $0x2FFFF;
	_ =	strace $0x9FFFFFFF  }
0xca: {  	(tm) =	ssettm $0x7FFFFFFF  }
0xcb: {  	_ =	shalt  }
tec
execute0_lowered:
.L_overlay_start_1:
0x0: {  	(tag) =	ssettag $0x1  }
0x1: {  	s1 =	rddreg [dreg:$0x0]  }
0x2: {  	s4 =	rddreg [dreg:$0x1];
	s2 =	srdreg.scid  }
0x3: {  	s6 =	rddreg [dreg:$0x2];
	s0 =	stileid.u32;
	s15 =	sand.u32 $0x1, s2  }
0x4: {  	s16 =	rddreg [dreg:$0x3];
	s7 =	sshll.u32 s0, $0x7;
	s5 =	sshll.u32 s15, $0xB  }
0x5: {  	s3 =	simm.s32 $0x0;
	s2 =	rddreg [dreg:$0x4];
	s17 =	sor.u32 s7, s5  }
0x6: {  	[smem:$0x7FF] =	sst s3;
	s7 =	sshrl.u32 s17, $0x3  }
0x7: {  	_ =	strace $0x8000004A;
	s5 =	sadd.s32 s4, s7;
	s4 =	simm.s32 $0x2  }
0x8: {  	[tilespmem:s3], [sflag:$0x2] =	stream.linear.gather [hbm4b:s5+s3], $0x80, $0x38;
	[tilespmem:$0x8100] =	vst v63  }
0x9: {  	_ =	swait.ge [sflag:s4], $0x80  }
0xa: {  	[sflag:s4] =	ssyncset.done $0x0  }
0xb: {  	s6 =	sadd.s32 s6, s7;
	s7 =	simm.s32 $0x80;
	[sflag:s4] =	ssyncadd.s32 $0xFFFFFF80  }
0xc: {  	[tilespmem:s7], [sflag:$0x2] =	stream.linear.gather [hbm4b:s6+s3], $0x80, $0x38;
	[tilespmem:$0x8100] =	vst v63  }
0xd: {  	_ =	swait.ge [sflag:s4], $0x80  }
0xe: {  	s8 =	simm.s32 $0x40;
	[sflag:s4] =	ssyncset.done $0x0  }
0xf: {  	s9 =	simm.s32 $0x100;
	s10 =	simm.s32 $0x1;
	[sflag:s4] =	ssyncadd.s32 $0xFFFFFF80  }
0x10: {  	[tilespmem:s9], [sflag:$0x1] =	stream.indirect.gather [hbm4b:s1+s8], $0x80, s3, s8, $0xb8;
	[tilespmem:$0x8100] =	vst v63  }
0x11: {  	_ =	swait.ge [sflag:s10], $0x2000  }
0x12: {  	[sflag:s10] =	ssyncset.done $0x0  }
0x13: {  	s11 =	simm.s32 $0x4100;
	[sflag:s10] =	ssyncadd.s32 $0xFFFFE000  }
0x14: {  	[tilespmem:s11], [sflag:$0x1] =	stream.indirect.gather [hbm4b:s1+s8], $0x80, s7, s8, $0xb8;
	[tilespmem:$0x8100] =	vst v63  }
0x15: {  	_ =	swait.ge [sflag:s10], $0x2000  }
0x16: {  	[sflag:s10] =	ssyncset.done $0x0  }
0x17: {  	s12 =	simm.s32 $0x2100;
	[sflag:s10] =	ssyncadd.s32 $0xFFFFE000  }
0x18: {  	[tilespmem:s12], [sflag:$0x1] =	stream.indirect.gather [hbm4b:s1+s8], $0x80, s8, s8, $0xb8;
	[tilespmem:$0x8100] =	vst v63  }
0x19: {  	_ =	swait.ge [sflag:s10], $0x2000  }
0x1a: {  	s13 =	simm.s32 $0xC0;
	[sflag:s10] =	ssyncset.done $0x0  }
0x1b: {  	s14 =	simm.s32 $0x6100;
	s31 =	ssub.s32 $0x2, s15;
	[sflag:s10] =	ssyncadd.s32 $0xFFFFE000  }
0x1c: {  	[tilespmem:s14], [sflag:$0x1] =	stream.indirect.gather [hbm4b:s1+s8], $0x80, s13, s8, $0xb8;
	[tilespmem:$0x8100] =	vst v63  }
0x1d: {  	s18 =	sshrl.u32 s31, $0x1;
	s17 =	sshll.u32 s17, $0x4;
	_ =	swait.ge [sflag:s10], $0x2000  }
0x1e: {  	s16 =	sadd.s32 s17, s16;
	s17 =	ssub.s32 s31, s18;
	[sflag:s10] =	ssyncset.done $0x0  }
0x1f: {  	s15 =	sadd.s32 $0x4A00, s16;
	s17 =	smax.u32 s17, $0x1;
	[sflag:s10] =	ssyncadd.s32 $0xFFFFE000  }
0x20: {  	[hbm4b:s15+s3] =	stream.linear.scatter [tilespmem:s9], [sflag:$0x2], $0x4000, $0x38;
	[tilespmem:$0x8100] =	vst v63  }
0x21: {  	p0 =	sne.s32 s17, $0x1;
	_ =	swait.ge [sflag:s4], $0x4000  }
.Ltmp0:
0x22: {  	[sflag:s4] =	ssyncset.done $0x0;
	(pc) =	sbr.rel @!p0 .LBB2_2-.Ltmp0, $4  }
0x23: {  	s16 =	sadd.s32 $0x14A00, s16;
	[sflag:s4] =	ssyncadd.s32 $0xFFFFC000  }
0x24: {  	[hbm4b:s16+s3] =	stream.linear.scatter [tilespmem:s11], [sflag:$0x2], $0x4000, $0x38;
	[tilespmem:$0x8100] =	vst v63  }
0x25: {  	_ =	swait.ge [sflag:s4], $0x4000  }
0x26: {  	s17 =	sadd.s32 $0xFFFFFFFF, s17;
	[sflag:s4] =	ssyncset.done $0x0  }
.LBB2_1:
0x27: {  	p0 =	sne.s32 s17, $0x1;
	s17 =	sadd.s32 $0xFFFFFFFF, s17;
	[sflag:s4] =	ssyncadd.s32 $0xFFFFC000  }
0x28: {  	[tilespmem:s3], [sflag:$0x2] =	stream.linear.gather [hbm4b:s5+s3], $0x80, $0x38;
	[tilespmem:$0x8100] =	vst v63  }
0x29: {  	_ =	swait.ge [sflag:s4], $0x80  }
0x2a: {  	[sflag:s4] =	ssyncset.done $0x0  }
0x2b: {  	[sflag:s4] =	ssyncadd.s32 $0xFFFFFF80  }
0x2c: {  	[tilespmem:s7], [sflag:$0x2] =	stream.linear.gather [hbm4b:s6+s3], $0x80, $0x38;
	[tilespmem:$0x8100] =	vst v63  }
0x2d: {  	_ =	swait.ge [sflag:s4], $0x80  }
0x2e: {  	[sflag:s4] =	ssyncset.done $0x0  }
0x2f: {  	[sflag:s4] =	ssyncadd.s32 $0xFFFFFF80  }
0x30: {  	[tilespmem:s9], [sflag:$0x1] =	stream.indirect.gather [hbm4b:s1+s8], $0x80, s3, s8, $0xb8;
	[tilespmem:$0x8100] =	vst v63  }
0x31: {  	_ =	swait.ge [sflag:s10], $0x2000  }
0x32: {  	[sflag:s10] =	ssyncset.done $0x0  }
0x33: {  	[sflag:s10] =	ssyncadd.s32 $0xFFFFE000  }
0x34: {  	[tilespmem:s11], [sflag:$0x1] =	stream.indirect.gather [hbm4b:s1+s8], $0x80, s7, s8, $0xb8;
	[tilespmem:$0x8100] =	vst v63  }
0x35: {  	_ =	swait.ge [sflag:s10], $0x2000  }
0x36: {  	[sflag:s10] =	ssyncset.done $0x0  }
0x37: {  	[sflag:s10] =	ssyncadd.s32 $0xFFFFE000  }
0x38: {  	[tilespmem:s12], [sflag:$0x1] =	stream.indirect.gather [hbm4b:s1+s8], $0x80, s8, s8, $0xb8;
	[tilespmem:$0x8100] =	vst v63  }
0x39: {  	_ =	swait.ge [sflag:s10], $0x2000  }
0x3a: {  	[sflag:s10] =	ssyncset.done $0x0  }
0x3b: {  	[sflag:s10] =	ssyncadd.s32 $0xFFFFE000  }
0x3c: {  	[tilespmem:s14], [sflag:$0x1] =	stream.indirect.gather [hbm4b:s1+s8], $0x80, s13, s8, $0xb8;
	[tilespmem:$0x8100] =	vst v63  }
0x3d: {  	_ =	swait.ge [sflag:s10], $0x2000  }
0x3e: {  	[sflag:s10] =	ssyncset.done $0x0  }
0x3f: {  	[sflag:s10] =	ssyncadd.s32 $0xFFFFE000  }
0x40: {  	[hbm4b:s15+s3] =	stream.linear.scatter [tilespmem:s9], [sflag:$0x2], $0x4000, $0x38;
	[tilespmem:$0x8100] =	vst v63  }
0x41: {  	_ =	swait.ge [sflag:s4], $0x4000  }
.Ltmp1:
0x42: {  	[sflag:s4] =	ssyncset.done $0x0;
	(pc) =	sbr.rel @p0 .LBB2_1-.Ltmp1, $4  }
0x43: {  	[sflag:s4] =	ssyncadd.s32 $0xFFFFC000  }
0x44: {  	[hbm4b:s16+s3] =	stream.linear.scatter [tilespmem:s11], [sflag:$0x2], $0x4000, $0x38;
	[tilespmem:$0x8100] =	vst v63  }
0x45: {  	_ =	swait.ge [sflag:s4], $0x4000  }
0x46: {  	[sflag:s4] =	ssyncset.done $0x0  }
.LBB2_2:
0x47: {  	[sflag:s4] =	ssyncadd.s32 $0xFFFFC000  }
0x48: {  	_ =	sfence.sel $0x180000  }
0x49: {  	[bflag:$0x0] =	sbarrier.arrive $0xFFFF  }
0x4a: {  	p0 =	sne.s32 s0, $0x0;
	_ =	strace $0x9000004A  }
0x4b: {  	s0 =	sadd.s32 @!p0 $0x100000, s2;
	[bflag:$0x2] =	sbarrier.arrive $0xFFFF  }
0x4c: {  	[sflag:s0] =	ssyncadd.tile.s32 @!p0 $0x1;
	_ =	shalt  }
.Lfunc_end2:
_tile_overlayer_lowered:
.L_overlay_start_2:
0x4d: {  	(tag) =	ssettag $0x2  }
0x4e: {  	s0 =	rddreg [dreg:$0x0];
	s2 =	stileid.u32  }
0x4f: {  	s1 =	rddreg [dreg:$0x1];
	p0 =	sne.s32 s2, $0x0  }
0x50: {  	s3 =	rddreg [dreg:$0x2];
	[bflag:$0x3] =	sbarrier.arrive $0xFFFF;
	s2 =	simm.s32 @!p0 $0x1C02  }
0x51: {  	[timem:s3], [sflag:s2] =	dma.local @!p0 [hbm:s0], s1  }
0x52: {  	s0 =	simm.s32 @!p0 $0x2  }
0x53: {  	_ =	swait.ge @!p0 [sflag:s0], s1  }
0x54: {  	s1 =	ssub.s32 @!p0 $0x0, s1;
	[sflag:s0] =	ssyncset.done @!p0 $0x0  }
0x55: {  	[sflag:s0] =	ssyncadd.s32 @!p0 s1  }
0x56: {  	[bflag:$0x3] =	sbarrier.arrive $0xFFFF  }
0x57: {  	_ =	shalt  }

// kernel: kernel.7.cloned.1.call-start
scs
__scs_entry_jumppad:
0x0: {  	(pc) =	sbr.rel $0x88, $3  }
0x1: {  	(tag) =	ssettag $0x0;
	lr =	simm.s32 $0x1  }
0x2: {  	[smem:$0x3F7D] =	sst lr;
	_ =	strace $0xD0000000  }
0x3: {  	_ = 	snop  }
0x4: {  	_ = 	snop  }
0x5: {  	_ = 	snop  }
0x6: {  	_ = 	snop  }
0x7: {  	_ = 	snop  }
__scs_overlays_trampoline_lowered:
0x8: {  	[smem:$0x3F8C] =	sst s0  }
0x9: {  	[smem:$0x3F8D] =	sst s1  }
0xa: {  	[smem:$0x3F8E] =	sst s2  }
0xb: {  	[smem:$0x3F8F] =	sst s3  }
0xc: {  	[smem:$0x3F90] =	sst s4  }
0xd: {  	[smem:$0x3F91] =	sst s5  }
0xe: {  	[smem:$0x3F92] =	sst s6  }
0xf: {  	[smem:$0x3F93] =	sst s7  }
0x10: {  	[smem:$0x3F94] =	sst s8  }
0x11: {  	[smem:$0x3F95] =	sst s9;
	s0 =	simm.s32 @!p0 $0x0  }
0x12: {  	s1 =	sld [smem:$0x3F7B];
	s0 =	simm.s32 @p0 $0x1  }
0x13: {  	[smem:$0x3F96] =	sst s0;
	s0 =	simm.s32 @!p1 $0x0  }
0x14: {  	s2 =	sld [smem:$0x3F7A];
	s0 =	simm.s32 @p1 $0x1  }
0x15: {  	[smem:$0x3F97] =	sst s0;
	s0 =	simm.s32 @!p2 $0x0  }
0x16: {  	s3 =	sld [smem:$0x3FDB];
	s0 =	simm.s32 @p2 $0x1  }
0x17: {  	s4 =	simm.s32 $0x1BF5;
	[smem:$0x3F99] =	sst s0  }
0x18: {  	s0 =	sld [smem:$0x3F7C];
	_ =	swait.ge [sflag:s4], $0x0  }
0x19: {  	s7 =	sld [smem:$0x3F7D]  }
0x1a: {  	s8 =	sadd.s32 $0xFFFFE003, lr  }
0x1b: {  	s9 =	sadd.s32 $0xFFFFFEF7, lr;
	s5 =	simm.s32 $0xFFFFFFFF;
	p2 =	slt.u32 s8, $0xFFFFF086  }
0x1c: {  	p1 =	slt.u32 s9, $0xF7A;
	s5 =	simm.s32 @!p2 $0x0  }
0x1d: {  	s5 =	simm.s32 @p1 $0x1;
	p0 =	seq.s32 s7, s2  }
0x1e: {  	s7 =	smul.u32 @!p0 $0xF7A, s2;
	p2 =	seq.s32 @!p0 s5, $0x0  }
0x1f: {  	s9 =	smul.u32 $0xF7A, s1;
	s8 =	simm.s32 @!p0 $0x1BF5;
	p2 =	por !p2, p0  }
0x20: {  	[sflag:s8] =	ssyncset.s32 @!p0 $0xFFFFF086;
	s6 =	sadd.s32 @!p0 s3, s7;
	s7 =	simm.s32 @!p0 $0x108  }
0x21: {  	s3 =	sadd.s32 s3, s9;
	s6 =	sadd.s32 @!p0 $0x88, s6;
	s7 =	simm.s32 @p2 $0x1082  }
0x22: {  	[simem:s7], [sflag:s8] =	dma.local @!p0 [hbm:s6], $0xF7A  }
0x23: {  	s9 =	sor.u32 $0xD0000000, s2;
	s6 =	simm.s32 $0x108;
	_ =	swait.ge @!p0 [sflag:s8], $0x0  }
0x24: {  	s3 =	sadd.s32 $0x88, s3;
	s6 =	simm.s32 @!p1 $0x1082;
	[sflag:s4] =	ssyncset.s32 $0xFFFFF086  }
0x25: {  	[simem:s6], [sflag:s4] =	dma.local [hbm:s3], $0xF7A  }
0x26: {  	[smem:$0x3F7D] =	sst s1;
	(tag) =	ssettag s2;
	_ =	strace s9  }
0x27: {  	s1 =	sld [smem:$0x3F8D]  }
0x28: {  	s2 =	sld [smem:$0x3F8E]  }
0x29: {  	s4 =	sld [smem:$0x3F90]  }
0x2a: {  	p0 =	seq.s32 s5, $0x0;
	s5 =	sld [smem:$0x3F91]  }
0x2b: {  	s6 =	sld [smem:$0x3F92]  }
0x2c: {  	s7 =	sld [smem:$0x3F93]  }
0x2d: {  	s3 =	simm.s32 $0x108;
	s8 =	sld [smem:$0x3F94]  }
0x2e: {  	s3 =	simm.s32 @!p0 $0x1082;
	s9 =	sld [smem:$0x3F95]  }
0x2f: {  	lr =	sadd.s32 s0, s3;
	s0 =	sld [smem:$0x3F8C]  }
0x30: {  	s3 =	sld [smem:$0x3F8F]  }
0x31: {  	[smem:$0x3F98] =	sst s10  }
0x32: {  	s10 =	sld [smem:$0x3F96];
	_ =	sdelay $0x3  }
0x33: {  	p0 =	seq.s32 s10, $0x1;
	s10 =	sld [smem:$0x3F98];
	_ =	sdelay $0x3  }
0x34: {  	[smem:$0x3F98] =	sst s10  }
0x35: {  	s10 =	sld [smem:$0x3F97];
	_ =	sdelay $0x3  }
0x36: {  	p1 =	seq.s32 s10, $0x1;
	s10 =	sld [smem:$0x3F98];
	_ =	sdelay $0x3  }
0x37: {  	[smem:$0x3F98] =	sst s10  }
0x38: {  	s10 =	sld [smem:$0x3F99]  }
0x39: {  	_ = 	snop;
	(pc) =	sbr.ind lr, $3  }
0x3a: {  	_ = 	snop  }
0x3b: {  	_ = 	snop  }
0x3c: {  	p2 =	seq.s32 s10, $0x1;
	s10 =	sld [smem:$0x3F98]  }
0x3d: {  	_ =	shalt  }
0x3e: {  	_ =	shalt  }
0x3f: {  	_ =	shalt  }
0x40: {  	_ =	shalt  }
0x41: {  	_ =	shalt  }
0x42: {  	_ =	shalt  }
0x43: {  	_ =	shalt  }
0x44: {  	_ =	shalt  }
0x45: {  	_ =	shalt  }
0x46: {  	_ =	shalt  }
0x47: {  	_ =	shalt  }
0x48: {  	_ =	shalt  }
0x49: {  	_ =	shalt  }
0x4a: {  	_ =	shalt  }
0x4b: {  	_ =	shalt  }
0x4c: {  	_ =	shalt  }
0x4d: {  	_ =	shalt  }
0x4e: {  	_ =	shalt  }
0x4f: {  	_ =	shalt  }
0x50: {  	_ =	shalt  }
0x51: {  	_ =	shalt  }
0x52: {  	_ =	shalt  }
0x53: {  	_ =	shalt  }
0x54: {  	_ =	shalt  }
0x55: {  	_ =	shalt  }
0x56: {  	_ =	shalt  }
0x57: {  	_ =	shalt  }
0x58: {  	_ =	shalt  }
0x59: {  	_ =	shalt  }
0x5a: {  	_ =	shalt  }
0x5b: {  	_ =	shalt  }
0x5c: {  	_ =	shalt  }
0x5d: {  	_ =	shalt  }
0x5e: {  	_ =	shalt  }
0x5f: {  	_ =	shalt  }
0x60: {  	_ =	shalt  }
0x61: {  	_ =	shalt  }
0x62: {  	_ =	shalt  }
0x63: {  	_ =	shalt  }
0x64: {  	_ =	shalt  }
0x65: {  	_ =	shalt  }
0x66: {  	_ =	shalt  }
0x67: {  	_ =	shalt  }
0x68: {  	_ =	shalt  }
0x69: {  	_ =	shalt  }
0x6a: {  	_ =	shalt  }
0x6b: {  	_ =	shalt  }
0x6c: {  	_ =	shalt  }
0x6d: {  	_ =	shalt  }
0x6e: {  	_ =	shalt  }
0x6f: {  	_ =	shalt  }
0x70: {  	_ =	shalt  }
0x71: {  	_ =	shalt  }
0x72: {  	_ =	shalt  }
0x73: {  	_ =	shalt  }
0x74: {  	_ =	shalt  }
0x75: {  	_ =	shalt  }
0x76: {  	_ =	shalt  }
0x77: {  	_ =	shalt  }
0x78: {  	_ =	shalt  }
0x79: {  	_ =	shalt  }
0x7a: {  	_ =	shalt  }
0x7b: {  	_ =	shalt  }
0x7c: {  	_ =	shalt  }
0x7d: {  	_ =	shalt  }
0x7e: {  	_ =	shalt  }
0x7f: {  	_ =	shalt  }
0x80: {  	_ =	shalt  }
0x81: {  	_ =	shalt  }
0x82: {  	_ =	shalt  }
0x83: {  	_ =	shalt  }
0x84: {  	_ =	shalt  }
0x85: {  	_ =	shalt  }
0x86: {  	_ =	shalt  }
0x87: {  	_ =	shalt  }
.Lfunc_end0:
.L_simem_size_0:
called_computation_lowered:
.L_overlay_start_0:
0x88: {  	s2 =	sld [smem:$0x3FD9]  }
0x89: {  	s3 =	sld [smem:$0x3FFE];
	_ =	sdelay $0x1  }
0x8a: {  	s1 =	srdreg.scid  }
0x8b: {  	s0 =	sand.u32 $0x1, s1  }
0x8c: {  	s14 =	sshll.u32 s0, $0xA;
	s2 =	sadd.s32 s3, s2  }
0x8d: {  	s2 =	sadd.s32 s2, s14  }
0x8e: {  	[smem:$0x3FA4] =	sst s2  }
0x8f: {  	_ = 	snop  }
0x90: {  	s2 =	sld [smem:$0x3FD0];
	_ =	sdelay $0x2  }
0x91: {  	s15 =	simm.s32 $0xA;
	s4 =	simm.s32 $0x10  }
0x92: {  	[smem:s4], [sflag:s15] =	dma.local [hbm:s2], $0x1  }
0x93: {  	_ =	swait.eq [sflag:s15], $0x1  }
0x94: {  	s16 =	sld [smem:$0x10]  }
0x95: {  	s17 =	sld [smem:$0x11]  }
0x96: {  	s5 =	sld [smem:$0x12];
	[sflag:s15] =	ssyncset.done $0x0  }
0x97: {  	s6 =	sld [smem:$0x13];
	[sflag:s15] =	ssyncadd.s32 $0xFFFFFFFF  }
0x98: {  	s18 =	sld [smem:$0x14];
	(tm) =	ssettm $0x1  }
0x99: {  	s7 =	sld [smem:$0x3FFB];
	_ =	sdelay $0x3  }
0x9a: {  	_ =	strace s7  }
0x9b: {  	s7 =	sld [smem:$0x3FFC];
	_ =	sdelay $0x3  }
0x9c: {  	_ =	strace s7  }
0x9d: {  	s7 =	sld [smem:$0x3FFD];
	_ =	sdelay $0x3  }
0x9e: {  	_ =	strace s7  }
0x9f: {  	_ =	strace $0x8FFFFFFF  }
0xa0: {  	s19 =	sld [smem:$0x3FDB];
	_ =	sdelay $0x1  }
0xa1: {  	s8 =	simm.s32 $_scs_section_size  }
0xa2: {  	s9 =	simm.s32 $_size__tile_overlayer_lowered;
	s10 =	simm.s32 $_tile_overlayer_lowered  }
0xa3: {  	s22 =	simm.s32 $0x1BFF;
	s21 =	sshll.u32 s10, $0x1;
	s7 =	sadd.s32 s8, s19  }
0xa4: {  	s11 =	simm.s32 $0x0;
	s20 =	sshll.u32 s9, $0x1;
	s9 =	sadd.s32 s21, s7  }
0xa5: {  	[timem:s11], [sflag:s22] =	dma.local [hbm:s9], s20  }
0xa6: {  	_ =	swait.ge [sflag:s22], s20  }
0xa7: {  	s8 =	ssub.s32 $0x0, s20;
	[sflag:s22] =	ssyncset.done $0x0  }
0xa8: {  	[sflag:s22] =	ssyncadd.s32 s8;
	_ =	sdelay $0x1  }
0xa9: {  	s23 =	simm.s32 $0x1B8B  }
0xaa: {  	_ =	swait.ge [sflag:s23], $0x1  }
0xab: {  	[sflag:s23] =	ssyncset.done $0x0  }
0xac: {  	s25 =	simm.s32 $0x1B8E;
	s24 =	sld [smem:$0x3FFE];
	[sflag:s23] =	ssyncadd.s32 $0xFFFFFFFF  }
0xad: {  	s26 =	simm.s32 $execute0_lowered;
	[smem:$0x3FD2] =	sst s25  }
0xae: {  	s9 =	sshll.u32 s26, $0x1;
	_ =	strace $0x80000046;
	[dreg:$0x1] =	wrdreg $0xFFFFFFFF  }
0xaf: {  	s28 =	simm.s32 $_size_execute0_lowered;
	s7 =	sadd.s32 s7, s9;
	[dreg:$0x0] =	wrdreg $0x0  }
0xb0: {  	s9 =	sshll.u32 s28, $0x1;
	[dreg:$0x2] =	wrdreg s7  }
0xb1: {  	[dreg:$0x3] =	wrdreg s9  }
0xb2: {  	[dreg:$0x4] =	wrdreg $0xC0  }
0xb3: {  	_ =	task [dreg:s11], $0x5FFFF  }
0xb4: {  	[dreg:$0x1] =	wrdreg $0xFFFFFFFF  }
0xb5: {  	[dreg:$0x0] =	wrdreg $0x60  }
0xb6: {  	[dreg:$0x2] =	wrdreg s5  }
0xb7: {  	[dreg:$0x3] =	wrdreg s17  }
0xb8: {  	[dreg:$0x4] =	wrdreg s6  }
0xb9: {  	[dreg:$0x5] =	wrdreg s16  }
0xba: {  	[dreg:$0x6] =	wrdreg s24  }
0xbb: {  	[dreg:$0x7] =	wrdreg s18  }
0xbc: {  	[dreg:$0x8] =	wrdreg $0x9  }
0xbd: {  	_ =	task.clear_ibuf [dreg:s11], $0x9FFFF;
	_ =	strace $0x90000046  }
0xbe: {  	s29 =	simm.s32 $0x9;
	_ =	strace $0x80000048  }
0xbf: {  	_ =	swait.ge [sflag:s29], $0x1  }
0xc0: {  	[sflag:s29] =	ssyncadd.s32 $0xFFFFFFFF  }
0xc1: {  	_ =	strace $0x90000048  }
0xc2: {  	_ =	sfence  }
0xc3: {  	s30 =	sld [smem:$0x0];
	_ =	sdelay $0x2  }
0xc4: {  	s31 =	sshll.u32 s1, $0xD;
	s1 =	sshrl.u32 s1, $0x2  }
0xc5: {  	s3 =	sand.u32 $0x4000, s31;
	s1 =	sadd.s32 s1, s30  }
0xc6: {  	s0 =	sor.u32 s3, s0;
	s1 =	sshll.u32 s1, $0x11  }
0xc7: {  	s0 =	sor.u32 s1, s0  }
0xc8: {  	s0 =	sadd.s32 $0x8F2B, s0  }
0xc9: {  	[sflag:s0] =	ssyncadd.remote.s32 $0x1  }
0xca: {  	_ =	sfence.sel $0xFFFF  }
0xcb: {  	[dreg:$0x0] =	wrdreg $0xFFFFFFFF;
	(pc) =	sbr.abs _section_cstart, $3  }
0xcc: {  	[dreg:$0x1] =	wrdreg $0xFFFFFFFF  }
0xcd: {  	_ =	task.clear_ibuf [dreg:s11], $0x2FFFF;
	_ =	strace $0x9FFFFFFF  }
0xce: {  	(tm) =	ssettm $0x7FFFFFFF  }
0xcf: {  	_ =	shalt  }
tec
execute0_lowered:
.L_overlay_start_1:
0x0: {  	(tag) =	ssettag $0x1  }
0x1: {  	s7 =	rddreg [dreg:$0x0]  }
0x2: {  	s8 =	rddreg [dreg:$0x1]  }
0x3: {  	s10 =	rddreg [dreg:$0x2];
	s1 =	srdreg.scid  }
0x4: {  	s12 =	rddreg [dreg:$0x3];
	s0 =	stileid.u32;
	s15 =	sand.u32 $0x1, s1  }
0x5: {  	s4 =	rddreg [dreg:$0x4];
	s6 =	sshll.u32 s0, $0x7;
	s5 =	sshll.u32 s15, $0xB  }
0x6: {  	s2 =	rddreg [dreg:$0x5];
	s3 =	simm.s32 $0x0;
	s9 =	sor.u32 s6, s5  }
0x7: {  	[smem:$0x7FF] =	sst s3;
	s5 =	sshll.u32 s9, $0x4  }
0x8: {  	s1 =	rddreg [dreg:$0x6];
	_ =	strace $0x80000047;
	s4 =	sadd.s32 s5, s4  }
0x9: {  	s6 =	simm.s32 $0x2;
	s5 =	simm.s32 $0x200;
	s4 =	sadd.s32 $0x4A00, s4  }
0xa: {  	[tilespmem:s5], [sflag:$0x2] =	stream.linear.gather [hbm4b:s4+s3], $0x4000, $0x38;
	[tilespmem:$0x4200] =	vst v63  }
0xb: {  	_ =	swait.ge [sflag:s6], $0x4000  }
0xc: {  	s13 =	sshrl.u32 s9, $0x3;
	[sflag:s6] =	ssyncset.done $0x0  }
0xd: {  	s7 =	sadd.s32 s7, s13;
	[sflag:s6] =	ssyncadd.s32 $0xFFFFC000  }
0xe: {  	[tilespmem:s3], [sflag:$0x2] =	stream.linear.gather [hbm4b:s7+s3], $0x80, $0x38;
	[tilespmem:$0x4200] =	vst v63  }
0xf: {  	_ =	swait.ge [sflag:s6], $0x80  }
0x10: {  	[sflag:s6] =	ssyncset.done $0x0  }
0x11: {  	s9 =	simm.s32 $0x80;
	s8 =	sadd.s32 s8, s13;
	[sflag:s6] =	ssyncadd.s32 $0xFFFFFF80  }
0x12: {  	[tilespmem:s9], [sflag:$0x2] =	stream.linear.gather [hbm4b:s8+s3], $0x80, $0x38;
	[tilespmem:$0x4200] =	vst v63  }
0x13: {  	_ =	swait.ge [sflag:s6], $0x80  }
0x14: {  	[sflag:s6] =	ssyncset.done $0x0  }
0x15: {  	s11 =	simm.s32 $0x100;
	s10 =	sadd.s32 s10, s13;
	[sflag:s6] =	ssyncadd.s32 $0xFFFFFF80  }
0x16: {  	[tilespmem:s11], [sflag:$0x2] =	stream.linear.gather [hbm4b:s10+s3], $0x80, $0x38;
	[tilespmem:$0x4200] =	vst v63  }
0x17: {  	_ =	swait.ge [sflag:s6], $0x80  }
0x18: {  	[sflag:s6] =	ssyncset.done $0x0  }
0x19: {  	s12 =	sadd.s32 s12, s13;
	s13 =	simm.s32 $0x180;
	[sflag:s6] =	ssyncadd.s32 $0xFFFFFF80  }
0x1a: {  	[tilespmem:s13], [sflag:$0x2] =	stream.linear.gather [hbm4b:s12+s3], $0x80, $0x38;
	[tilespmem:$0x4200] =	vst v63  }
0x1b: {  	v0 =	vlaneseq.u32;
	_ =	swait.ge [sflag:s6], $0x80  }
0x1c: {  	v7 =	vmul.u32 $0x80, v0;
	[sflag:s6] =	ssyncset.done $0x0  }
0x1d: {  	[sflag:s6] =	ssyncadd.s32 $0xFFFFFF80  }
0x1e: {  	v0 =	vor.u32 $0x7F, v7;
	v1 =	vld [tilespmem:$0x100];
	_ =	sdelay $0x4  }
0x1f: {  	[tilespmem:v0+s5+$0x0] =	vst.idx.msk $0xffff, v1  }
0x20: {  	v1 =	vor.u32 $0x87F, v7;
	v2 =	vld [tilespmem:$0x110];
	_ =	sdelay $0x4  }
0x21: {  	[tilespmem:v1+s5+$0x0] =	vst.idx.msk $0xffff, v2  }
0x22: {  	v2 =	vor.u32 $0x107F, v7;
	v3 =	vld [tilespmem:$0x120];
	_ =	sdelay $0x4  }
0x23: {  	[tilespmem:v2+s5+$0x0] =	vst.idx.msk $0xffff, v3  }
0x24: {  	v3 =	vor.u32 $0x187F, v7;
	v4 =	vld [tilespmem:$0x130];
	_ =	sdelay $0x4  }
0x25: {  	[tilespmem:v3+s5+$0x0] =	vst.idx.msk $0xffff, v4  }
0x26: {  	v4 =	vor.u32 $0x207F, v7;
	v5 =	vld [tilespmem:$0x140];
	_ =	sdelay $0x4  }
0x27: {  	[tilespmem:v4+s5+$0x0] =	vst.idx.msk $0xffff, v5  }
0x28: {  	v5 =	vor.u32 $0x287F, v7;
	v6 =	vld [tilespmem:$0x150];
	_ =	sdelay $0x4  }
0x29: {  	[tilespmem:v5+s5+$0x0] =	vst.idx.msk $0xffff, v6  }
0x2a: {  	v6 =	vor.u32 $0x307F, v7;
	v8 =	vld [tilespmem:$0x160];
	_ =	sdelay $0x4  }
0x2b: {  	[tilespmem:v6+s5+$0x0] =	vst.idx.msk $0xffff, v8  }
0x2c: {  	v7 =	vor.u32 $0x387F, v7;
	v8 =	vld [tilespmem:$0x170];
	_ =	sdelay $0x4  }
0x2d: {  	s14 =	simm.s32 $0x1;
	[tilespmem:v7+s5+$0x0] =	vst.idx.msk $0xffff, v8  }
0x2e: {  	[hbm4b:s2+s9] =	stream.indirect.scatter [tilespmem:s5], [sflag:$0x1], $0x80, s3, s9, $0xb8;
	[tilespmem:$0x4200] =	vst v63  }
0x2f: {  	_ =	swait.ge [sflag:s14], $0x4000  }
0x30: {  	[sflag:s14] =	ssyncset.done $0x0  }
0x31: {  	[sflag:s14] =	ssyncadd.s32 $0xFFFFC000  }
0x32: {  	v8 =	vld [tilespmem:$0x180];
	_ =	sdelay $0x4  }
0x33: {  	[tilespmem:v0+s5+$0x0] =	vst.idx.msk $0xffff, v8  }
0x34: {  	v8 =	vld [tilespmem:$0x190];
	_ =	sdelay $0x4  }
0x35: {  	[tilespmem:v1+s5+$0x0] =	vst.idx.msk $0xffff, v8  }
0x36: {  	v8 =	vld [tilespmem:$0x1A0];
	_ =	sdelay $0x4  }
0x37: {  	[tilespmem:v2+s5+$0x0] =	vst.idx.msk $0xffff, v8  }
0x38: {  	v8 =	vld [tilespmem:$0x1B0];
	_ =	sdelay $0x4  }
0x39: {  	[tilespmem:v3+s5+$0x0] =	vst.idx.msk $0xffff, v8  }
0x3a: {  	v8 =	vld [tilespmem:$0x1C0];
	_ =	sdelay $0x4  }
0x3b: {  	[tilespmem:v4+s5+$0x0] =	vst.idx.msk $0xffff, v8  }
0x3c: {  	v8 =	vld [tilespmem:$0x1D0];
	_ =	sdelay $0x4  }
0x3d: {  	[tilespmem:v5+s5+$0x0] =	vst.idx.msk $0xffff, v8  }
0x3e: {  	v8 =	vld [tilespmem:$0x1E0];
	_ =	sdelay $0x4  }
0x3f: {  	s15 =	ssub.s32 $0x2, s15;
	[tilespmem:v6+s5+$0x0] =	vst.idx.msk $0xffff, v8  }
0x40: {  	s16 =	sshrl.u32 s15, $0x1;
	v8 =	vld [tilespmem:$0x1F0]  }
0x41: {  	s15 =	ssub.s32 s15, s16  }
0x42: {  	s15 =	smax.u32 s15, $0x1  }
0x43: {  	p0 =	sne.s32 s15, $0x1  }
.Ltmp0:
0x44: {  	_ = 	snop;
	(pc) =	sbr.rel @!p0 .LBB2_2-.Ltmp0, $4  }
0x45: {  	[tilespmem:v7+s5+$0x0] =	vst.idx.msk $0xffff, v8  }
0x46: {  	[hbm4b:s2+s9] =	stream.indirect.scatter [tilespmem:s5], [sflag:$0x1], $0x80, s9, s9, $0xb8;
	[tilespmem:$0x4200] =	vst v63  }
0x47: {  	_ =	swait.ge [sflag:s14], $0x4000  }
0x48: {  	s15 =	sadd.s32 $0xFFFFFFFF, s15;
	[sflag:s14] =	ssyncset.done $0x0  }
.LBB2_1:
0x49: {  	p0 =	sne.s32 s15, $0x1;
	s15 =	sadd.s32 $0xFFFFFFFF, s15;
	[sflag:s14] =	ssyncadd.s32 $0xFFFFC000  }
0x4a: {  	[tilespmem:s5], [sflag:$0x2] =	stream.linear.gather [hbm4b:s4+s3], $0x4000, $0x38;
	[tilespmem:$0x4200] =	vst v63  }
0x4b: {  	_ =	swait.ge [sflag:s6], $0x4000  }
0x4c: {  	[sflag:s6] =	ssyncset.done $0x0  }
0x4d: {  	[sflag:s6] =	ssyncadd.s32 $0xFFFFC000  }
0x4e: {  	[tilespmem:s3], [sflag:$0x2] =	stream.linear.gather [hbm4b:s7+s3], $0x80, $0x38;
	[tilespmem:$0x4200] =	vst v63  }
0x4f: {  	_ =	swait.ge [sflag:s6], $0x80  }
0x50: {  	[sflag:s6] =	ssyncset.done $0x0  }
0x51: {  	[sflag:s6] =	ssyncadd.s32 $0xFFFFFF80  }
0x52: {  	[tilespmem:s9], [sflag:$0x2] =	stream.linear.gather [hbm4b:s8+s3], $0x80, $0x38;
	[tilespmem:$0x4200] =	vst v63  }
0x53: {  	_ =	swait.ge [sflag:s6], $0x80  }
0x54: {  	[sflag:s6] =	ssyncset.done $0x0  }
0x55: {  	[sflag:s6] =	ssyncadd.s32 $0xFFFFFF80  }
0x56: {  	[tilespmem:s11], [sflag:$0x2] =	stream.linear.gather [hbm4b:s10+s3], $0x80, $0x38;
	[tilespmem:$0x4200] =	vst v63  }
0x57: {  	_ =	swait.ge [sflag:s6], $0x80  }
0x58: {  	[sflag:s6] =	ssyncset.done $0x0  }
0x59: {  	[sflag:s6] =	ssyncadd.s32 $0xFFFFFF80  }
0x5a: {  	[tilespmem:s13], [sflag:$0x2] =	stream.linear.gather [hbm4b:s12+s3], $0x80, $0x38;
	[tilespmem:$0x4200] =	vst v63  }
0x5b: {  	_ =	swait.ge [sflag:s6], $0x80  }
0x5c: {  	[sflag:s6] =	ssyncset.done $0x0  }
0x5d: {  	[sflag:s6] =	ssyncadd.s32 $0xFFFFFF80  }
0x5e: {  	v8 =	vld [tilespmem:$0x100];
	_ =	sdelay $0x4  }
0x5f: {  	[tilespmem:v0+s5+$0x0] =	vst.idx.msk $0xffff, v8  }
0x60: {  	v8 =	vld [tilespmem:$0x110];
	_ =	sdelay $0x4  }
0x61: {  	[tilespmem:v1+s5+$0x0] =	vst.idx.msk $0xffff, v8  }
0x62: {  	v8 =	vld [tilespmem:$0x120];
	_ =	sdelay $0x4  }
0x63: {  	[tilespmem:v2+s5+$0x0] =	vst.idx.msk $0xffff, v8  }
0x64: {  	v8 =	vld [tilespmem:$0x130];
	_ =	sdelay $0x4  }
0x65: {  	[tilespmem:v3+s5+$0x0] =	vst.idx.msk $0xffff, v8  }
0x66: {  	v8 =	vld [tilespmem:$0x140];
	_ =	sdelay $0x4  }
0x67: {  	[tilespmem:v4+s5+$0x0] =	vst.idx.msk $0xffff, v8  }
0x68: {  	v8 =	vld [tilespmem:$0x150];
	_ =	sdelay $0x4  }
0x69: {  	[tilespmem:v5+s5+$0x0] =	vst.idx.msk $0xffff, v8  }
0x6a: {  	v8 =	vld [tilespmem:$0x160];
	_ =	sdelay $0x4  }
0x6b: {  	[tilespmem:v6+s5+$0x0] =	vst.idx.msk $0xffff, v8  }
0x6c: {  	v8 =	vld [tilespmem:$0x170];
	_ =	sdelay $0x4  }
0x6d: {  	[tilespmem:v7+s5+$0x0] =	vst.idx.msk $0xffff, v8  }
0x6e: {  	[hbm4b:s2+s9] =	stream.indirect.scatter [tilespmem:s5], [sflag:$0x1], $0x80, s3, s9, $0xb8;
	[tilespmem:$0x4200] =	vst v63  }
0x6f: {  	_ =	swait.ge [sflag:s14], $0x4000  }
0x70: {  	[sflag:s14] =	ssyncset.done $0x0  }
0x71: {  	[sflag:s14] =	ssyncadd.s32 $0xFFFFC000  }
0x72: {  	v8 =	vld [tilespmem:$0x180];
	_ =	sdelay $0x4  }
0x73: {  	[tilespmem:v0+s5+$0x0] =	vst.idx.msk $0xffff, v8  }
0x74: {  	v8 =	vld [tilespmem:$0x190];
	_ =	sdelay $0x4  }
0x75: {  	[tilespmem:v1+s5+$0x0] =	vst.idx.msk $0xffff, v8  }
0x76: {  	v8 =	vld [tilespmem:$0x1A0];
	_ =	sdelay $0x4  }
0x77: {  	[tilespmem:v2+s5+$0x0] =	vst.idx.msk $0xffff, v8  }
0x78: {  	v8 =	vld [tilespmem:$0x1B0];
	_ =	sdelay $0x4  }
0x79: {  	[tilespmem:v3+s5+$0x0] =	vst.idx.msk $0xffff, v8  }
0x7a: {  	v8 =	vld [tilespmem:$0x1C0];
	_ =	sdelay $0x4  }
0x7b: {  	[tilespmem:v4+s5+$0x0] =	vst.idx.msk $0xffff, v8  }
0x7c: {  	v8 =	vld [tilespmem:$0x1D0];
	_ =	sdelay $0x4  }
0x7d: {  	[tilespmem:v5+s5+$0x0] =	vst.idx.msk $0xffff, v8  }
0x7e: {  	v8 =	vld [tilespmem:$0x1E0];
	_ =	sdelay $0x4  }
0x7f: {  	[tilespmem:v6+s5+$0x0] =	vst.idx.msk $0xffff, v8  }
0x80: {  	v8 =	vld [tilespmem:$0x1F0];
	_ =	sdelay $0x3  }
.Ltmp1:
0x81: {  	(pc) =	sbr.rel @p0 .LBB2_1-.Ltmp1, $4  }
0x82: {  	[tilespmem:v7+s5+$0x0] =	vst.idx.msk $0xffff, v8  }
0x83: {  	[hbm4b:s2+s9] =	stream.indirect.scatter [tilespmem:s5], [sflag:$0x1], $0x80, s9, s9, $0xb8;
	[tilespmem:$0x4200] =	vst v63  }
0x84: {  	_ =	swait.ge [sflag:s14], $0x4000  }
0x85: {  	[sflag:s14] =	ssyncset.done $0x0  }
.LBB2_2:
0x86: {  	[sflag:s14] =	ssyncadd.s32 $0xFFFFC000  }
0x87: {  	_ =	sfence.sel $0x180000  }
0x88: {  	[bflag:$0x0] =	sbarrier.arrive $0xFFFF  }
0x89: {  	p0 =	sne.s32 s0, $0x0;
	_ =	strace $0x90000047  }
0x8a: {  	s0 =	sadd.s32 @!p0 $0x100000, s1;
	[bflag:$0x2] =	sbarrier.arrive $0xFFFF  }
0x8b: {  	[sflag:s0] =	ssyncadd.tile.s32 @!p0 $0x1;
	_ =	shalt  }
.Lfunc_end2:
_tile_overlayer_lowered:
.L_overlay_start_2:
0x8c: {  	(tag) =	ssettag $0x2  }
0x8d: {  	s0 =	rddreg [dreg:$0x0];
	s2 =	stileid.u32  }
0x8e: {  	s1 =	rddreg [dreg:$0x1];
	p0 =	sne.s32 s2, $0x0  }
0x8f: {  	s3 =	rddreg [dreg:$0x2];
	[bflag:$0x3] =	sbarrier.arrive $0xFFFF;
	s2 =	simm.s32 @!p0 $0x1C02  }
0x90: {  	[timem:s3], [sflag:s2] =	dma.local @!p0 [hbm:s0], s1  }
0x91: {  	s0 =	simm.s32 @!p0 $0x2  }
0x92: {  	_ =	swait.ge @!p0 [sflag:s0], s1  }
0x93: {  	s1 =	ssub.s32 @!p0 $0x0, s1;
	[sflag:s0] =	ssyncset.done @!p0 $0x0  }
0x94: {  	[sflag:s0] =	ssyncadd.s32 @!p0 s1  }
0x95: {  	[bflag:$0x3] =	sbarrier.arrive $0xFFFF  }
0x96: {  	_ =	shalt  }

</sc_bundles>
